<compile_context>
chip_gen: v7x
topology: tpu7x:2x2x1
jax: 0.10.2.dev20260603
libtpu: 0.0.44.dev20260713+nightly
codegen_flags: <defaults>
</compile_context>

<pallas_src>
import functools
import jax
import jax.numpy as jnp
from jax import lax
from jax.experimental import pallas as pl
from jax.experimental.pallas import tpu as pltpu
from jax.experimental.pallas import tpu_sc as plsc

_BS = 64
_T = 2048
_D = 256
_NC = 2
_NS = 16
_NW = _NC * _NS
_BPW = _BS // _NW
_ROWS = _T // _NS
_CH = 128
_NCH = _T // _CH


def _sc_body(table_hbm, out_hbm, spmem, bufs, sem_a, sem_r, sem_w):
    cid = lax.axis_index("c")
    sid = lax.axis_index("s")

    r0 = sid * _ROWS
    pltpu.sync_copy(table_hbm.at[pl.ds(r0, _ROWS)], spmem.at[pl.ds(r0, _ROWS)])
    plsc.subcore_barrier()

    base = (sid * _NC + cid) * _BPW

    copy_a = pltpu.async_copy(spmem, out_hbm.at[base], sem_a)

    reads = [
        pltpu.make_async_copy(
            table_hbm.at[pl.ds(i * _CH, _CH)], bufs.at[i % 2], sem_r
        )
        for i in range(_NCH)
    ]
    writes = [
        pltpu.make_async_copy(
            bufs.at[i % 2], out_hbm.at[base + 1, pl.ds(i * _CH, _CH)], sem_w
        )
        for i in range(_NCH)
    ]
    reads[0].start()
    for i in range(_NCH):
        reads[i].wait()
        writes[i].start()
        if i + 1 < _NCH:
            if i >= 1:
                writes[i - 1].wait()
            reads[i + 1].start()
    writes[_NCH - 1].wait()

    copy_a.wait()


def kernel(mask, embed_weight):
    bs, t = mask.shape
    n_embed, d = embed_weight.shape

    mesh = plsc.VectorSubcoreMesh(core_axis_name="c", subcore_axis_name="s")
    k = functools.partial(
        pl.kernel,
        mesh=mesh,
        out_type=jax.ShapeDtypeStruct((bs, t, d), embed_weight.dtype),
        scratch_types=[
            pltpu.VMEM_SHARED((t, d), embed_weight.dtype),
            pltpu.VMEM((2, _CH, d), embed_weight.dtype),
            pltpu.SemaphoreType.DMA,
            pltpu.SemaphoreType.DMA,
            pltpu.SemaphoreType.DMA,
        ],
    )(_sc_body)
    return k(embed_weight[:t])

# --- scband reference (transcript-rebuilt; emitter-appended) ---
"""Pipeline reference for scband-position-embedding-learned-45414984188613 (READ-ONLY COPY).

The authoritative reference and input builder live on the scoring server;
editing this copy changes nothing except your own understanding.
"""

import jax, jax.numpy as jnp
import numpy as np

NUM_EMBED = 2048
NUM_POS_FEATS = 256
BS = 64
T = 2048

def setup_inputs(seed: int = 0) -> dict:
    key = jax.random.key(seed)
    k_mask, k_w = jax.random.split(key)
    mask = jnp.zeros((BS, T), dtype=jnp.bool_)
    # nn.init.uniform_ -> U[0, 1)
    embed_weight = jax.random.uniform(k_w, (NUM_EMBED, NUM_POS_FEATS), dtype=jnp.float32)
    return {"mask": mask, "embed_weight": embed_weight}

def reference(mask, embed_weight):
    bs, t = mask.shape
    # emb = self.embed(torch.arange(t))
    idx = jnp.arange(t)
    emb = jnp.take(embed_weight, idx, axis=0)  # [t, num_pos_feats]
    # pos = emb.unsqueeze(0).repeat(bs, 1, 1)
    pos = jnp.tile(emb[None, :, :], (bs, 1, 1))  # [bs, t, num_pos_feats]
    return pos

if __name__ == "__main__":
    import jax
    _d = setup_inputs()
    print(jax.jit(kernel)(*tuple(_d.values())))

</pallas_src>

<mosaic_0001>
#map = affine_map<(d0, d1) -> (0, 0)>
#map1 = affine_map<(d0, d1) -> (0, 0, 0)>
module attributes {stable_mosaic.version = 14 : i64} {
  func.func @_sc_body(%arg0: i32, %arg1: i32, %arg2: memref<2048x256xf32, #tpu.memory_space<hbm>>, %arg3: memref<64x2048x256xf32, #tpu.memory_space<hbm>>, %arg4: memref<2048x256xf32, #tpu.memory_space<vmem_shared>>, %arg5: memref<2x128x256xf32, #tpu.memory_space<vmem>>, %arg6: memref<!tpu.dma_semaphore, #tpu.memory_space<semaphore_mem>>, %arg7: memref<!tpu.dma_semaphore, #tpu.memory_space<semaphore_mem>>, %arg8: memref<!tpu.dma_semaphore, #tpu.memory_space<semaphore_mem>>) attributes {dimension_semantics = [#tpu.dimension_semantics<core_parallel>, #tpu.dimension_semantics<subcore_parallel>], iteration_bounds = array<i64: 2, 16>, scalar_prefetch = 0 : i64, scratch_operands = 5 : i64, tpu.core_type = #tpu.core_type<sc_vector_subcore>, window_params = [{transform_indices = #map}, {transform_indices = #map1}]} {
    %mul3A = arith.constant 128 : i32
    %mul3A_0 = arith.muli %arg1, %mul3A : i32
    "tpu.region"() ({
      %run_scoped3A = tpu.sem_alloc : memref<!tpu.dma_semaphore, #tpu.memory_space<semaphore_mem>>
      %dma_start3A_1050 = arith.constant 0 : i32
      %dma_start3A_1051 = tpu.memref_slice %arg4[%mul3A_0, %dma_start3A_1050] : memref<2048x256xf32, #tpu.memory_space<vmem_shared>> -> memref<128x256xf32, #tpu.memory_space<vmem_shared>>
      %dma_start3A_1052 = arith.constant 0 : i32
      %dma_start3A_1053 = tpu.memref_slice %arg2[%mul3A_0, %dma_start3A_1052] : memref<2048x256xf32, #tpu.memory_space<hbm>> -> memref<128x256xf32, #tpu.memory_space<hbm>>
      tpu.enqueue_dma source(%dma_start3A_1053 : memref<128x256xf32, #tpu.memory_space<hbm>>) target(%dma_start3A_1051 : memref<128x256xf32, #tpu.memory_space<vmem_shared>>) target_semaphore(%run_scoped3A : memref<!tpu.dma_semaphore, #tpu.memory_space<semaphore_mem>>)
      %dma_wait3A_1054 = arith.constant 0 : i32
      %dma_wait3A_1055 = tpu.memref_slice %arg4[%mul3A_0, %dma_wait3A_1054] : memref<2048x256xf32, #tpu.memory_space<vmem_shared>> -> memref<128x256xf32, #tpu.memory_space<vmem_shared>>
      %dma_wait3A_1056 = arith.constant 0 : i32
      %dma_wait3A_1057 = tpu.memref_slice %arg2[%mul3A_0, %dma_wait3A_1056] : memref<2048x256xf32, #tpu.memory_space<hbm>> -> memref<128x256xf32, #tpu.memory_space<hbm>>
      tpu.wait_dma2 semaphore(%run_scoped3A : memref<!tpu.dma_semaphore, #tpu.memory_space<semaphore_mem>>) src(%dma_wait3A_1057 : memref<128x256xf32, #tpu.memory_space<hbm>>) dst(%dma_wait3A_1055 : memref<128x256xf32, #tpu.memory_space<vmem_shared>>)
      tpu.yield
    }) : () -> ()
    %barrier3A = arith.constant 0 : index
    tpu.barrier barrier_id(%barrier3A)
    %mul3A_1 = arith.constant 2 : i32
    %mul3A_2 = arith.muli %arg1, %mul3A_1 : i32
    %add3A = arith.addi %mul3A_2, %arg0 : i32
    %mul3A_3 = arith.constant 2 : i32
    %mul3A_4 = arith.muli %add3A, %mul3A_3 : i32
    %dma_start3A = arith.constant 0 : i32
    %dma_start3A_5 = arith.constant 0 : i32
    %dma_start3A_6 = tpu.memref_slice %arg3[%mul3A_4, %dma_start3A, %dma_start3A_5] : memref<64x2048x256xf32, #tpu.memory_space<hbm>> -> memref<1x2048x256xf32, #tpu.memory_space<hbm>>
    %dma_start3A_7 = tpu.memref_squeeze %dma_start3A_6 : memref<1x2048x256xf32, #tpu.memory_space<hbm>> -> memref<2048x256xf32, #tpu.memory_space<hbm>>
    tpu.enqueue_dma source(%arg4 : memref<2048x256xf32, #tpu.memory_space<vmem_shared>>) target(%dma_start3A_7 : memref<2048x256xf32, #tpu.memory_space<hbm>>) target_semaphore(%arg6 : memref<!tpu.dma_semaphore, #tpu.memory_space<semaphore_mem>>)
    %add3A_8 = arith.constant 1 : i32
    %add3A_9 = arith.addi %mul3A_4, %add3A_8 : i32
    %add3A_10 = arith.constant 1 : i32
    %add3A_11 = arith.addi %mul3A_4, %add3A_10 : i32
    %add3A_12 = arith.constant 1 : i32
    %add3A_13 = arith.addi %mul3A_4, %add3A_12 : i32
    %add3A_14 = arith.constant 1 : i32
    %add3A_15 = arith.addi %mul3A_4, %add3A_14 : i32
    %add3A_16 = arith.constant 1 : i32
    %add3A_17 = arith.addi %mul3A_4, %add3A_16 : i32
    %add3A_18 = arith.constant 1 : i32
    %add3A_19 = arith.addi %mul3A_4, %add3A_18 : i32
    %add3A_20 = arith.constant 1 : i32
    %add3A_21 = arith.addi %mul3A_4, %add3A_20 : i32
    %add3A_22 = arith.constant 1 : i32
    %add3A_23 = arith.addi %mul3A_4, %add3A_22 : i32
    %add3A_24 = arith.constant 1 : i32
    %add3A_25 = arith.addi %mul3A_4, %add3A_24 : i32
    %add3A_26 = arith.constant 1 : i32
    %add3A_27 = arith.addi %mul3A_4, %add3A_26 : i32
    %add3A_28 = arith.constant 1 : i32
    %add3A_29 = arith.addi %mul3A_4, %add3A_28 : i32
    %add3A_30 = arith.constant 1 : i32
    %add3A_31 = arith.addi %mul3A_4, %add3A_30 : i32
    %add3A_32 = arith.constant 1 : i32
    %add3A_33 = arith.addi %mul3A_4, %add3A_32 : i32
    %add3A_34 = arith.constant 1 : i32
    %add3A_35 = arith.addi %mul3A_4, %add3A_34 : i32
    %add3A_36 = arith.constant 1 : i32
    %add3A_37 = arith.addi %mul3A_4, %add3A_36 : i32
    %add3A_38 = arith.constant 1 : i32
    %add3A_39 = arith.addi %mul3A_4, %add3A_38 : i32
    %dma_start3A_40 = arith.constant 0 : i32
    %dma_start3A_41 = arith.constant 0 : i32
    %dma_start3A_42 = arith.constant 0 : i32
    %dma_start3A_43 = tpu.memref_slice %arg5[%dma_start3A_40, %dma_start3A_41, %dma_start3A_42] : memref<2x128x256xf32, #tpu.memory_space<vmem>> -> memref<1x128x256xf32, #tpu.memory_space<vmem>>
    %dma_start3A_44 = tpu.memref_squeeze %dma_start3A_43 : memref<1x128x256xf32, #tpu.memory_space<vmem>> -> memref<128x256xf32, #tpu.memory_space<vmem>>
    %dma_start3A_45 = arith.constant 0 : i32
    %dma_start3A_46 = arith.constant 0 : i32
    %dma_start3A_47 = tpu.memref_slice %arg2[%dma_start3A_45, %dma_start3A_46] : memref<2048x256xf32, #tpu.memory_space<hbm>> -> memref<128x256xf32, #tpu.memory_space<hbm>>
    %dma_start3A_48 = arith.constant 0 : i32
    %dma_start3A_49 = arith.constant 0 : i32
    %dma_start3A_50 = tpu.memref_slice %arg5[%dma_start3A_40, %dma_start3A_48, %dma_start3A_49] : memref<2x128x256xf32, #tpu.memory_space<vmem>> -> memref<1x128x256xf32, #tpu.memory_space<vmem>>
    %dma_start3A_51 = tpu.memref_squeeze %dma_start3A_50 : memref<1x128x256xf32, #tpu.memory_space<vmem>> -> memref<128x256xf32, #tpu.memory_space<vmem>>
    %dma_start3A_52 = arith.constant 0 : i32
    %dma_start3A_53 = arith.constant 0 : i32
    %dma_start3A_54 = tpu.memref_slice %arg2[%dma_start3A_52, %dma_start3A_53] : memref<2048x256xf32, #tpu.memory_space<hbm>> -> memref<128x256xf32, #tpu.memory_space<hbm>>
    tpu.enqueue_dma source(%dma_start3A_54 : memref<128x256xf32, #tpu.memory_space<hbm>>) target(%dma_start3A_51 : memref<128x256xf32, #tpu.memory_space<vmem>>) target_semaphore(%arg7 : memref<!tpu.dma_semaphore, #tpu.memory_space<semaphore_mem>>)
    %dma_wait3A = arith.constant 0 : i32
    %dma_wait3A_55 = arith.constant 0 : i32
    %dma_wait3A_56 = arith.constant 0 : i32
    %dma_wait3A_57 = tpu.memref_slice %arg5[%dma_wait3A, %dma_wait3A_55, %dma_wait3A_56] : memref<2x128x256xf32, #tpu.memory_space<vmem>> -> memref<1x128x256xf32, #tpu.memory_space<vmem>>
    %dma_wait3A_58 = tpu.memref_squeeze %dma_wait3A_57 : memref<1x128x256xf32, #tpu.memory_space<vmem>> -> memref<128x256xf32, #tpu.memory_space<vmem>>
    %dma_wait3A_59 = arith.constant 0 : i32
    %dma_wait3A_60 = arith.constant 0 : i32
    %dma_wait3A_61 = tpu.memref_slice %arg2[%dma_wait3A_59, %dma_wait3A_60] : memref<2048x256xf32, #tpu.memory_space<hbm>> -> memref<128x256xf32, #tpu.memory_space<hbm>>
    %dma_wait3A_62 = arith.constant 0 : i32
    %dma_wait3A_63 = arith.constant 0 : i32
    %dma_wait3A_64 = tpu.memref_slice %arg5[%dma_wait3A, %dma_wait3A_62, %dma_wait3A_63] : memref<2x128x256xf32, #tpu.memory_space<vmem>> -> memref<1x128x256xf32, #tpu.memory_space<vmem>>
    %dma_wait3A_65 = tpu.memref_squeeze %dma_wait3A_64 : memref<1x128x256xf32, #tpu.memory_space<vmem>> -> memref<128x256xf32, #tpu.memory_space<vmem>>
    %dma_wait3A_66 = arith.constant 0 : i32
    %dma_wait3A_67 = arith.constant 0 : i32
    %dma_wait3A_68 = tpu.memref_slice %arg2[%dma_wait3A_66, %dma_wait3A_67] : memref<2048x256xf32, #tpu.memory_space<hbm>> -> memref<128x256xf32, #tpu.memory_space<hbm>>
    tpu.wait_dma2 semaphore(%arg7 : memref<!tpu.dma_semaphore, #tpu.memory_space<semaphore_mem>>) src(%dma_wait3A_68 : memref<128x256xf32, #tpu.memory_space<hbm>>) dst(%dma_wait3A_65 : memref<128x256xf32, #tpu.memory_space<vmem>>)
    %dma_start3A_69 = arith.constant 0 : i32
    %dma_start3A_70 = arith.constant 0 : i32
    %dma_start3A_71 = arith.constant 0 : i32
    %dma_start3A_72 = tpu.memref_slice %arg5[%dma_start3A_69, %dma_start3A_70, %dma_start3A_71] : memref<2x128x256xf32, #tpu.memory_space<vmem>> -> memref<1x128x256xf32, #tpu.memory_space<vmem>>
    %dma_start3A_73 = tpu.memref_squeeze %dma_start3A_72 : memref<1x128x256xf32, #tpu.memory_space<vmem>> -> memref<128x256xf32, #tpu.memory_space<vmem>>
    %dma_start3A_74 = arith.constant 0 : i32
    %dma_start3A_75 = arith.constant 0 : i32
    %dma_start3A_76 = tpu.memref_slice %arg3[%add3A_9, %dma_start3A_74, %dma_start3A_75] : memref<64x2048x256xf32, #tpu.memory_space<hbm>> -> memref<1x128x256xf32, #tpu.memory_space<hbm>>
    %dma_start3A_77 = tpu.memref_squeeze %dma_start3A_76 : memref<1x128x256xf32, #tpu.memory_space<hbm>> -> memref<128x256xf32, #tpu.memory_space<hbm>>
    %dma_start3A_78 = arith.constant 0 : i32
    %dma_start3A_79 = arith.constant 0 : i32
    %dma_start3A_80 = tpu.memref_slice %arg3[%add3A_9, %dma_start3A_78, %dma_start3A_79] : memref<64x2048x256xf32, #tpu.memory_space<hbm>> -> memref<1x128x256xf32, #tpu.memory_space<hbm>>
    %dma_start3A_81 = tpu.memref_squeeze %dma_start3A_80 : memref<1x128x256xf32, #tpu.memory_space<hbm>> -> memref<128x256xf32, #tpu.memory_space<hbm>>
    %dma_start3A_82 = arith.constant 0 : i32
    %dma_start3A_83 = arith.constant 0 : i32
    %dma_start3A_84 = tpu.memref_slice %arg5[%dma_start3A_69, %dma_start3A_82, %dma_start3A_83] : memref<2x128x256xf32, #tpu.memory_space<vmem>> -> memref<1x128x256xf32, #tpu.memory_space<vmem>>
    %dma_start3A_85 = tpu.memref_squeeze %dma_start3A_84 : memref<1x128x256xf32, #tpu.memory_space<vmem>> -> memref<128x256xf32, #tpu.memory_space<vmem>>
    tpu.enqueue_dma source(%dma_start3A_85 : memref<128x256xf32, #tpu.memory_space<vmem>>) target(%dma_start3A_81 : memref<128x256xf32, #tpu.memory_space<hbm>>) target_semaphore(%arg8 : memref<!tpu.dma_semaphore, #tpu.memory_space<semaphore_mem>>)
    %dma_start3A_86 = arith.constant 1 : i32
    %dma_start3A_87 = arith.constant 0 : i32
    %dma_start3A_88 = arith.constant 0 : i32
    %dma_start3A_89 = tpu.memref_slice %arg5[%dma_start3A_86, %dma_start3A_87, %dma_start3A_88] : memref<2x128x256xf32, #tpu.memory_space<vmem>> -> memref<1x128x256xf32, #tpu.memory_space<vmem>>
    %dma_start3A_90 = tpu.memref_squeeze %dma_start3A_89 : memref<1x128x256xf32, #tpu.memory_space<vmem>> -> memref<128x256xf32, #tpu.memory_space<vmem>>
    %dma_start3A_91 = arith.constant 128 : i32
    %dma_start3A_92 = arith.constant 0 : i32
    %dma_start3A_93 = tpu.memref_slice %arg2[%dma_start3A_91, %dma_start3A_92] : memref<2048x256xf32, #tpu.memory_space<hbm>> -> memref<128x256xf32, #tpu.memory_space<hbm>>
    %dma_start3A_94 = arith.constant 0 : i32
    %dma_start3A_95 = arith.constant 0 : i32
    %dma_start3A_96 = tpu.memref_slice %arg5[%dma_start3A_86, %dma_start3A_94, %dma_start3A_95] : memref<2x128x256xf32, #tpu.memory_space<vmem>> -> memref<1x128x256xf32, #tpu.memory_space<vmem>>
    %dma_start3A_97 = tpu.memref_squeeze %dma_start3A_96 : memref<1x128x256xf32, #tpu.memory_space<vmem>> -> memref<128x256xf32, #tpu.memory_space<vmem>>
    %dma_start3A_98 = arith.constant 128 : i32
    %dma_start3A_99 = arith.constant 0 : i32
    %dma_start3A_100 = tpu.memref_slice %arg2[%dma_start3A_98, %dma_start3A_99] : memref<2048x256xf32, #tpu.memory_space<hbm>> -> memref<128x256xf32, #tpu.memory_space<hbm>>
    tpu.enqueue_dma source(%dma_start3A_100 : memref<128x256xf32, #tpu.memory_space<hbm>>) target(%dma_start3A_97 : memref<128x256xf32, #tpu.memory_space<vmem>>) target_semaphore(%arg7 : memref<!tpu.dma_semaphore, #tpu.memory_space<semaphore_mem>>)
    %dma_wait3A_101 = arith.constant 1 : i32
    %dma_wait3A_102 = arith.constant 0 : i32
    %dma_wait3A_103 = arith.constant 0 : i32
    %dma_wait3A_104 = tpu.memref_slice %arg5[%dma_wait3A_101, %dma_wait3A_102, %dma_wait3A_103] : memref<2x128x256xf32, #tpu.memory_space<vmem>> -> memref<1x128x256xf32, #tpu.memory_space<vmem>>
    %dma_wait3A_105 = tpu.memref_squeeze %dma_wait3A_104 : memref<1x128x256xf32, #tpu.memory_space<vmem>> -> memref<128x256xf32, #tpu.memory_space<vmem>>
    %dma_wait3A_106 = arith.constant 128 : i32
    %dma_wait3A_107 = arith.constant 0 : i32
    %dma_wait3A_108 = tpu.memref_slice %arg2[%dma_wait3A_106, %dma_wait3A_107] : memref<2048x256xf32, #tpu.memory_space<hbm>> -> memref<128x256xf32, #tpu.memory_space<hbm>>
    %dma_wait3A_109 = arith.constant 0 : i32
    %dma_wait3A_110 = arith.constant 0 : i32
    %dma_wait3A_111 = tpu.memref_slice %arg5[%dma_wait3A_101, %dma_wait3A_109, %dma_wait3A_110] : memref<2x128x256xf32, #tpu.memory_space<vmem>> -> memref<1x128x256xf32, #tpu.memory_space<vmem>>
    %dma_wait3A_112 = tpu.memref_squeeze %dma_wait3A_111 : memref<1x128x256xf32, #tpu.memory_space<vmem>> -> memref<128x256xf32, #tpu.memory_space<vmem>>
    %dma_wait3A_113 = arith.constant 128 : i32
    %dma_wait3A_114 = arith.constant 0 : i32
    %dma_wait3A_115 = tpu.memref_slice %arg2[%dma_wait3A_113, %dma_wait3A_114] : memref<2048x256xf32, #tpu.memory_space<hbm>> -> memref<128x256xf32, #tpu.memory_space<hbm>>
    tpu.wait_dma2 semaphore(%arg7 : memref<!tpu.dma_semaphore, #tpu.memory_space<semaphore_mem>>) src(%dma_wait3A_115 : memref<128x256xf32, #tpu.memory_space<hbm>>) dst(%dma_wait3A_112 : memref<128x256xf32, #tpu.memory_space<vmem>>)
    %dma_start3A_116 = arith.constant 1 : i32
    %dma_start3A_117 = arith.constant 0 : i32
    %dma_start3A_118 = arith.constant 0 : i32
    %dma_start3A_119 = tpu.memref_slice %arg5[%dma_start3A_116, %dma_start3A_117, %dma_start3A_118] : memref<2x128x256xf32, #tpu.memory_space<vmem>> -> memref<1x128x256xf32, #tpu.memory_space<vmem>>
    %dma_start3A_120 = tpu.memref_squeeze %dma_start3A_119 : memref<1x128x256xf32, #tpu.memory_space<vmem>> -> memref<128x256xf32, #tpu.memory_space<vmem>>
    %dma_start3A_121 = arith.constant 128 : i32
    %dma_start3A_122 = arith.constant 0 : i32
    %dma_start3A_123 = tpu.memref_slice %arg3[%add3A_11, %dma_start3A_121, %dma_start3A_122] : memref<64x2048x256xf32, #tpu.memory_space<hbm>> -> memref<1x128x256xf32, #tpu.memory_space<hbm>>
    %dma_start3A_124 = tpu.memref_squeeze %dma_start3A_123 : memref<1x128x256xf32, #tpu.memory_space<hbm>> -> memref<128x256xf32, #tpu.memory_space<hbm>>
    %dma_start3A_125 = arith.constant 128 : i32
    %dma_start3A_126 = arith.constant 0 : i32
    %dma_start3A_127 = tpu.memref_slice %arg3[%add3A_11, %dma_start3A_125, %dma_start3A_126] : memref<64x2048x256xf32, #tpu.memory_space<hbm>> -> memref<1x128x256xf32, #tpu.memory_space<hbm>>
    %dma_start3A_128 = tpu.memref_squeeze %dma_start3A_127 : memref<1x128x256xf32, #tpu.memory_space<hbm>> -> memref<128x256xf32, #tpu.memory_space<hbm>>
    %dma_start3A_129 = arith.constant 0 : i32
    %dma_start3A_130 = arith.constant 0 : i32
    %dma_start3A_131 = tpu.memref_slice %arg5[%dma_start3A_116, %dma_start3A_129, %dma_start3A_130] : memref<2x128x256xf32, #tpu.memory_space<vmem>> -> memref<1x128x256xf32, #tpu.memory_space<vmem>>
    %dma_start3A_132 = tpu.memref_squeeze %dma_start3A_131 : memref<1x128x256xf32, #tpu.memory_space<vmem>> -> memref<128x256xf32, #tpu.memory_space<vmem>>
    tpu.enqueue_dma source(%dma_start3A_132 : memref<128x256xf32, #tpu.memory_space<vmem>>) target(%dma_start3A_128 : memref<128x256xf32, #tpu.memory_space<hbm>>) target_semaphore(%arg8 : memref<!tpu.dma_semaphore, #tpu.memory_space<semaphore_mem>>)
    %dma_wait3A_133 = arith.constant 0 : i32
    %dma_wait3A_134 = arith.constant 0 : i32
    %dma_wait3A_135 = arith.constant 0 : i32
    %dma_wait3A_136 = tpu.memref_slice %arg5[%dma_wait3A_133, %dma_wait3A_134, %dma_wait3A_135] : memref<2x128x256xf32, #tpu.memory_space<vmem>> -> memref<1x128x256xf32, #tpu.memory_space<vmem>>
    %dma_wait3A_137 = tpu.memref_squeeze %dma_wait3A_136 : memref<1x128x256xf32, #tpu.memory_space<vmem>> -> memref<128x256xf32, #tpu.memory_space<vmem>>
    %dma_wait3A_138 = arith.constant 0 : i32
    %dma_wait3A_139 = arith.constant 0 : i32
    %dma_wait3A_140 = tpu.memref_slice %arg3[%add3A_9, %dma_wait3A_138, %dma_wait3A_139] : memref<64x2048x256xf32, #tpu.memory_space<hbm>> -> memref<1x128x256xf32, #tpu.memory_space<hbm>>
    %dma_wait3A_141 = tpu.memref_squeeze %dma_wait3A_140 : memref<1x128x256xf32, #tpu.memory_space<hbm>> -> memref<128x256xf32, #tpu.memory_space<hbm>>
    %dma_wait3A_142 = arith.constant 0 : i32
    %dma_wait3A_143 = arith.constant 0 : i32
    %dma_wait3A_144 = tpu.memref_slice %arg3[%add3A_9, %dma_wait3A_142, %dma_wait3A_143] : memref<64x2048x256xf32, #tpu.memory_space<hbm>> -> memref<1x128x256xf32, #tpu.memory_space<hbm>>
    %dma_wait3A_145 = tpu.memref_squeeze %dma_wait3A_144 : memref<1x128x256xf32, #tpu.memory_space<hbm>> -> memref<128x256xf32, #tpu.memory_space<hbm>>
    %dma_wait3A_146 = arith.constant 0 : i32
    %dma_wait3A_147 = arith.constant 0 : i32
    %dma_wait3A_148 = tpu.memref_slice %arg5[%dma_wait3A_133, %dma_wait3A_146, %dma_wait3A_147] : memref<2x128x256xf32, #tpu.memory_space<vmem>> -> memref<1x128x256xf32, #tpu.memory_space<vmem>>
    %dma_wait3A_149 = tpu.memref_squeeze %dma_wait3A_148 : memref<1x128x256xf32, #tpu.memory_space<vmem>> -> memref<128x256xf32, #tpu.memory_space<vmem>>
    tpu.wait_dma2 semaphore(%arg8 : memref<!tpu.dma_semaphore, #tpu.memory_space<semaphore_mem>>) src(%dma_wait3A_149 : memref<128x256xf32, #tpu.memory_space<vmem>>) dst(%dma_wait3A_145 : memref<128x256xf32, #tpu.memory_space<hbm>>)
    %dma_start3A_150 = arith.constant 0 : i32
    %dma_start3A_151 = arith.constant 0 : i32
    %dma_start3A_152 = arith.constant 0 : i32
    %dma_start3A_153 = tpu.memref_slice %arg5[%dma_start3A_150, %dma_start3A_151, %dma_start3A_152] : memref<2x128x256xf32, #tpu.memory_space<vmem>> -> memref<1x128x256xf32, #tpu.memory_space<vmem>>
    %dma_start3A_154 = tpu.memref_squeeze %dma_start3A_153 : memref<1x128x256xf32, #tpu.memory_space<vmem>> -> memref<128x256xf32, #tpu.memory_space<vmem>>
    %dma_start3A_155 = arith.constant 256 : i32
    %dma_start3A_156 = arith.constant 0 : i32
    %dma_start3A_157 = tpu.memref_slice %arg2[%dma_start3A_155, %dma_start3A_156] : memref<2048x256xf32, #tpu.memory_space<hbm>> -> memref<128x256xf32, #tpu.memory_space<hbm>>
    %dma_start3A_158 = arith.constant 0 : i32
    %dma_start3A_159 = arith.constant 0 : i32
    %dma_start3A_160 = tpu.memref_slice %arg5[%dma_start3A_150, %dma_start3A_158, %dma_start3A_159] : memref<2x128x256xf32, #tpu.memory_space<vmem>> -> memref<1x128x256xf32, #tpu.memory_space<vmem>>
    %dma_start3A_161 = tpu.memref_squeeze %dma_start3A_160 : memref<1x128x256xf32, #tpu.memory_space<vmem>> -> memref<128x256xf32, #tpu.memory_space<vmem>>
    %dma_start3A_162 = arith.constant 256 : i32
    %dma_start3A_163 = arith.constant 0 : i32
    %dma_start3A_164 = tpu.memref_slice %arg2[%dma_start3A_162, %dma_start3A_163] : memref<2048x256xf32, #tpu.memory_space<hbm>> -> memref<128x256xf32, #tpu.memory_space<hbm>>
    tpu.enqueue_dma source(%dma_start3A_164 : memref<128x256xf32, #tpu.memory_space<hbm>>) target(%dma_start3A_161 : memref<128x256xf32, #tpu.memory_space<vmem>>) target_semaphore(%arg7 : memref<!tpu.dma_semaphore, #tpu.memory_space<semaphore_mem>>)
    %dma_wait3A_165 = arith.constant 0 : i32
    %dma_wait3A_166 = arith.constant 0 : i32
    %dma_wait3A_167 = arith.constant 0 : i32
    %dma_wait3A_168 = tpu.memref_slice %arg5[%dma_wait3A_165, %dma_wait3A_166, %dma_wait3A_167] : memref<2x128x256xf32, #tpu.memory_space<vmem>> -> memref<1x128x256xf32, #tpu.memory_space<vmem>>
    %dma_wait3A_169 = tpu.memref_squeeze %dma_wait3A_168 : memref<1x128x256xf32, #tpu.memory_space<vmem>> -> memref<128x256xf32, #tpu.memory_space<vmem>>
    %dma_wait3A_170 = arith.constant 256 : i32
    %dma_wait3A_171 = arith.constant 0 : i32
    %dma_wait3A_172 = tpu.memref_slice %arg2[%dma_wait3A_170, %dma_wait3A_171] : memref<2048x256xf32, #tpu.memory_space<hbm>> -> memref<128x256xf32, #tpu.memory_space<hbm>>
    %dma_wait3A_173 = arith.constant 0 : i32
    %dma_wait3A_174 = arith.constant 0 : i32
    %dma_wait3A_175 = tpu.memref_slice %arg5[%dma_wait3A_165, %dma_wait3A_173, %dma_wait3A_174] : memref<2x128x256xf32, #tpu.memory_space<vmem>> -> memref<1x128x256xf32, #tpu.memory_space<vmem>>
    %dma_wait3A_176 = tpu.memref_squeeze %dma_wait3A_175 : memref<1x128x256xf32, #tpu.memory_space<vmem>> -> memref<128x256xf32, #tpu.memory_space<vmem>>
    %dma_wait3A_177 = arith.constant 256 : i32
    %dma_wait3A_178 = arith.constant 0 : i32
    %dma_wait3A_179 = tpu.memref_slice %arg2[%dma_wait3A_177, %dma_wait3A_178] : memref<2048x256xf32, #tpu.memory_space<hbm>> -> memref<128x256xf32, #tpu.memory_space<hbm>>
    tpu.wait_dma2 semaphore(%arg7 : memref<!tpu.dma_semaphore, #tpu.memory_space<semaphore_mem>>) src(%dma_wait3A_179 : memref<128x256xf32, #tpu.memory_space<hbm>>) dst(%dma_wait3A_176 : memref<128x256xf32, #tpu.memory_space<vmem>>)
    %dma_start3A_180 = arith.constant 0 : i32
    %dma_start3A_181 = arith.constant 0 : i32
    %dma_start3A_182 = arith.constant 0 : i32
    %dma_start3A_183 = tpu.memref_slice %arg5[%dma_start3A_180, %dma_start3A_181, %dma_start3A_182] : memref<2x128x256xf32, #tpu.memory_space<vmem>> -> memref<1x128x256xf32, #tpu.memory_space<vmem>>
    %dma_start3A_184 = tpu.memref_squeeze %dma_start3A_183 : memref<1x128x256xf32, #tpu.memory_space<vmem>> -> memref<128x256xf32, #tpu.memory_space<vmem>>
    %dma_start3A_185 = arith.constant 256 : i32
    %dma_start3A_186 = arith.constant 0 : i32
    %dma_start3A_187 = tpu.memref_slice %arg3[%add3A_13, %dma_start3A_185, %dma_start3A_186] : memref<64x2048x256xf32, #tpu.memory_space<hbm>> -> memref<1x128x256xf32, #tpu.memory_space<hbm>>
    %dma_start3A_188 = tpu.memref_squeeze %dma_start3A_187 : memref<1x128x256xf32, #tpu.memory_space<hbm>> -> memref<128x256xf32, #tpu.memory_space<hbm>>
    %dma_start3A_189 = arith.constant 256 : i32
    %dma_start3A_190 = arith.constant 0 : i32
    %dma_start3A_191 = tpu.memref_slice %arg3[%add3A_13, %dma_start3A_189, %dma_start3A_190] : memref<64x2048x256xf32, #tpu.memory_space<hbm>> -> memref<1x128x256xf32, #tpu.memory_space<hbm>>
    %dma_start3A_192 = tpu.memref_squeeze %dma_start3A_191 : memref<1x128x256xf32, #tpu.memory_space<hbm>> -> memref<128x256xf32, #tpu.memory_space<hbm>>
    %dma_start3A_193 = arith.constant 0 : i32
    %dma_start3A_194 = arith.constant 0 : i32
    %dma_start3A_195 = tpu.memref_slice %arg5[%dma_start3A_180, %dma_start3A_193, %dma_start3A_194] : memref<2x128x256xf32, #tpu.memory_space<vmem>> -> memref<1x128x256xf32, #tpu.memory_space<vmem>>
    %dma_start3A_196 = tpu.memref_squeeze %dma_start3A_195 : memref<1x128x256xf32, #tpu.memory_space<vmem>> -> memref<128x256xf32, #tpu.memory_space<vmem>>
    tpu.enqueue_dma source(%dma_start3A_196 : memref<128x256xf32, #tpu.memory_space<vmem>>) target(%dma_start3A_192 : memref<128x256xf32, #tpu.memory_space<hbm>>) target_semaphore(%arg8 : memref<!tpu.dma_semaphore, #tpu.memory_space<semaphore_mem>>)
    %dma_wait3A_197 = arith.constant 1 : i32
    %dma_wait3A_198 = arith.constant 0 : i32
    %dma_wait3A_199 = arith.constant 0 : i32
    %dma_wait3A_200 = tpu.memref_slice %arg5[%dma_wait3A_197, %dma_wait3A_198, %dma_wait3A_199] : memref<2x128x256xf32, #tpu.memory_space<vmem>> -> memref<1x128x256xf32, #tpu.memory_space<vmem>>
    %dma_wait3A_201 = tpu.memref_squeeze %dma_wait3A_200 : memref<1x128x256xf32, #tpu.memory_space<vmem>> -> memref<128x256xf32, #tpu.memory_space<vmem>>
    %dma_wait3A_202 = arith.constant 128 : i32
    %dma_wait3A_203 = arith.constant 0 : i32
    %dma_wait3A_204 = tpu.memref_slice %arg3[%add3A_11, %dma_wait3A_202, %dma_wait3A_203] : memref<64x2048x256xf32, #tpu.memory_space<hbm>> -> memref<1x128x256xf32, #tpu.memory_space<hbm>>
    %dma_wait3A_205 = tpu.memref_squeeze %dma_wait3A_204 : memref<1x128x256xf32, #tpu.memory_space<hbm>> -> memref<128x256xf32, #tpu.memory_space<hbm>>
    %dma_wait3A_206 = arith.constant 128 : i32
    %dma_wait3A_207 = arith.constant 0 : i32
    %dma_wait3A_208 = tpu.memref_slice %arg3[%add3A_11, %dma_wait3A_206, %dma_wait3A_207] : memref<64x2048x256xf32, #tpu.memory_space<hbm>> -> memref<1x128x256xf32, #tpu.memory_space<hbm>>
    %dma_wait3A_209 = tpu.memref_squeeze %dma_wait3A_208 : memref<1x128x256xf32, #tpu.memory_space<hbm>> -> memref<128x256xf32, #tpu.memory_space<hbm>>
    %dma_wait3A_210 = arith.constant 0 : i32
    %dma_wait3A_211 = arith.constant 0 : i32
    %dma_wait3A_212 = tpu.memref_slice %arg5[%dma_wait3A_197, %dma_wait3A_210, %dma_wait3A_211] : memref<2x128x256xf32, #tpu.memory_space<vmem>> -> memref<1x128x256xf32, #tpu.memory_space<vmem>>
    %dma_wait3A_213 = tpu.memref_squeeze %dma_wait3A_212 : memref<1x128x256xf32, #tpu.memory_space<vmem>> -> memref<128x256xf32, #tpu.memory_space<vmem>>
    tpu.wait_dma2 semaphore(%arg8 : memref<!tpu.dma_semaphore, #tpu.memory_space<semaphore_mem>>) src(%dma_wait3A_213 : memref<128x256xf32, #tpu.memory_space<vmem>>) dst(%dma_wait3A_209 : memref<128x256xf32, #tpu.memory_space<hbm>>)
    %dma_start3A_214 = arith.constant 1 : i32
    %dma_start3A_215 = arith.constant 0 : i32
    %dma_start3A_216 = arith.constant 0 : i32
    %dma_start3A_217 = tpu.memref_slice %arg5[%dma_start3A_214, %dma_start3A_215, %dma_start3A_216] : memref<2x128x256xf32, #tpu.memory_space<vmem>> -> memref<1x128x256xf32, #tpu.memory_space<vmem>>
    %dma_start3A_218 = tpu.memref_squeeze %dma_start3A_217 : memref<1x128x256xf32, #tpu.memory_space<vmem>> -> memref<128x256xf32, #tpu.memory_space<vmem>>
    %dma_start3A_219 = arith.constant 384 : i32
    %dma_start3A_220 = arith.constant 0 : i32
    %dma_start3A_221 = tpu.memref_slice %arg2[%dma_start3A_219, %dma_start3A_220] : memref<2048x256xf32, #tpu.memory_space<hbm>> -> memref<128x256xf32, #tpu.memory_space<hbm>>
    %dma_start3A_222 = arith.constant 0 : i32
    %dma_start3A_223 = arith.constant 0 : i32
    %dma_start3A_224 = tpu.memref_slice %arg5[%dma_start3A_214, %dma_start3A_222, %dma_start3A_223] : memref<2x128x256xf32, #tpu.memory_space<vmem>> -> memref<1x128x256xf32, #tpu.memory_space<vmem>>
    %dma_start3A_225 = tpu.memref_squeeze %dma_start3A_224 : memref<1x128x256xf32, #tpu.memory_space<vmem>> -> memref<128x256xf32, #tpu.memory_space<vmem>>
    %dma_start3A_226 = arith.constant 384 : i32
    %dma_start3A_227 = arith.constant 0 : i32
    %dma_start3A_228 = tpu.memref_slice %arg2[%dma_start3A_226, %dma_start3A_227] : memref<2048x256xf32, #tpu.memory_space<hbm>> -> memref<128x256xf32, #tpu.memory_space<hbm>>
    tpu.enqueue_dma source(%dma_start3A_228 : memref<128x256xf32, #tpu.memory_space<hbm>>) target(%dma_start3A_225 : memref<128x256xf32, #tpu.memory_space<vmem>>) target_semaphore(%arg7 : memref<!tpu.dma_semaphore, #tpu.memory_space<semaphore_mem>>)
    %dma_wait3A_229 = arith.constant 1 : i32
    %dma_wait3A_230 = arith.constant 0 : i32
    %dma_wait3A_231 = arith.constant 0 : i32
    %dma_wait3A_232 = tpu.memref_slice %arg5[%dma_wait3A_229, %dma_wait3A_230, %dma_wait3A_231] : memref<2x128x256xf32, #tpu.memory_space<vmem>> -> memref<1x128x256xf32, #tpu.memory_space<vmem>>
    %dma_wait3A_233 = tpu.memref_squeeze %dma_wait3A_232 : memref<1x128x256xf32, #tpu.memory_space<vmem>> -> memref<128x256xf32, #tpu.memory_space<vmem>>
    %dma_wait3A_234 = arith.constant 384 : i32
    %dma_wait3A_235 = arith.constant 0 : i32
    %dma_wait3A_236 = tpu.memref_slice %arg2[%dma_wait3A_234, %dma_wait3A_235] : memref<2048x256xf32, #tpu.memory_space<hbm>> -> memref<128x256xf32, #tpu.memory_space<hbm>>
    %dma_wait3A_237 = arith.constant 0 : i32
    %dma_wait3A_238 = arith.constant 0 : i32
    %dma_wait3A_239 = tpu.memref_slice %arg5[%dma_wait3A_229, %dma_wait3A_237, %dma_wait3A_238] : memref<2x128x256xf32, #tpu.memory_space<vmem>> -> memref<1x128x256xf32, #tpu.memory_space<vmem>>
    %dma_wait3A_240 = tpu.memref_squeeze %dma_wait3A_239 : memref<1x128x256xf32, #tpu.memory_space<vmem>> -> memref<128x256xf32, #tpu.memory_space<vmem>>
    %dma_wait3A_241 = arith.constant 384 : i32
    %dma_wait3A_242 = arith.constant 0 : i32
    %dma_wait3A_243 = tpu.memref_slice %arg2[%dma_wait3A_241, %dma_wait3A_242] : memref<2048x256xf32, #tpu.memory_space<hbm>> -> memref<128x256xf32, #tpu.memory_space<hbm>>
    tpu.wait_dma2 semaphore(%arg7 : memref<!tpu.dma_semaphore, #tpu.memory_space<semaphore_mem>>) src(%dma_wait3A_243 : memref<128x256xf32, #tpu.memory_space<hbm>>) dst(%dma_wait3A_240 : memref<128x256xf32, #tpu.memory_space<vmem>>)
    %dma_start3A_244 = arith.constant 1 : i32
    %dma_start3A_245 = arith.constant 0 : i32
    %dma_start3A_246 = arith.constant 0 : i32
    %dma_start3A_247 = tpu.memref_slice %arg5[%dma_start3A_244, %dma_start3A_245, %dma_start3A_246] : memref<2x128x256xf32, #tpu.memory_space<vmem>> -> memref<1x128x256xf32, #tpu.memory_space<vmem>>
    %dma_start3A_248 = tpu.memref_squeeze %dma_start3A_247 : memref<1x128x256xf32, #tpu.memory_space<vmem>> -> memref<128x256xf32, #tpu.memory_space<vmem>>
    %dma_start3A_249 = arith.constant 384 : i32
    %dma_start3A_250 = arith.constant 0 : i32
    %dma_start3A_251 = tpu.memref_slice %arg3[%add3A_15, %dma_start3A_249, %dma_start3A_250] : memref<64x2048x256xf32, #tpu.memory_space<hbm>> -> memref<1x128x256xf32, #tpu.memory_space<hbm>>
    %dma_start3A_252 = tpu.memref_squeeze %dma_start3A_251 : memref<1x128x256xf32, #tpu.memory_space<hbm>> -> memref<128x256xf32, #tpu.memory_space<hbm>>
    %dma_start3A_253 = arith.constant 384 : i32
    %dma_start3A_254 = arith.constant 0 : i32
    %dma_start3A_255 = tpu.memref_slice %arg3[%add3A_15, %dma_start3A_253, %dma_start3A_254] : memref<64x2048x256xf32, #tpu.memory_space<hbm>> -> memref<1x128x256xf32, #tpu.memory_space<hbm>>
    %dma_start3A_256 = tpu.memref_squeeze %dma_start3A_255 : memref<1x128x256xf32, #tpu.memory_space<hbm>> -> memref<128x256xf32, #tpu.memory_space<hbm>>
    %dma_start3A_257 = arith.constant 0 : i32
    %dma_start3A_258 = arith.constant 0 : i32
    %dma_start3A_259 = tpu.memref_slice %arg5[%dma_start3A_244, %dma_start3A_257, %dma_start3A_258] : memref<2x128x256xf32, #tpu.memory_space<vmem>> -> memref<1x128x256xf32, #tpu.memory_space<vmem>>
    %dma_start3A_260 = tpu.memref_squeeze %dma_start3A_259 : memref<1x128x256xf32, #tpu.memory_space<vmem>> -> memref<128x256xf32, #tpu.memory_space<vmem>>
    tpu.enqueue_dma source(%dma_start3A_260 : memref<128x256xf32, #tpu.memory_space<vmem>>) target(%dma_start3A_256 : memref<128x256xf32, #tpu.memory_space<hbm>>) target_semaphore(%arg8 : memref<!tpu.dma_semaphore, #tpu.memory_space<semaphore_mem>>)
    %dma_wait3A_261 = arith.constant 0 : i32
    %dma_wait3A_262 = arith.constant 0 : i32
    %dma_wait3A_263 = arith.constant 0 : i32
    %dma_wait3A_264 = tpu.memref_slice %arg5[%dma_wait3A_261, %dma_wait3A_262, %dma_wait3A_263] : memref<2x128x256xf32, #tpu.memory_space<vmem>> -> memref<1x128x256xf32, #tpu.memory_space<vmem>>
    %dma_wait3A_265 = tpu.memref_squeeze %dma_wait3A_264 : memref<1x128x256xf32, #tpu.memory_space<vmem>> -> memref<128x256xf32, #tpu.memory_space<vmem>>
    %dma_wait3A_266 = arith.constant 256 : i32
    %dma_wait3A_267 = arith.constant 0 : i32
    %dma_wait3A_268 = tpu.memref_slice %arg3[%add3A_13, %dma_wait3A_266, %dma_wait3A_267] : memref<64x2048x256xf32, #tpu.memory_space<hbm>> -> memref<1x128x256xf32, #tpu.memory_space<hbm>>
    %dma_wait3A_269 = tpu.memref_squeeze %dma_wait3A_268 : memref<1x128x256xf32, #tpu.memory_space<hbm>> -> memref<128x256xf32, #tpu.memory_space<hbm>>
    %dma_wait3A_270 = arith.constant 256 : i32
    %dma_wait3A_271 = arith.constant 0 : i32
    %dma_wait3A_272 = tpu.memref_slice %arg3[%add3A_13, %dma_wait3A_270, %dma_wait3A_271] : memref<64x2048x256xf32, #tpu.memory_space<hbm>> -> memref<1x128x256xf32, #tpu.memory_space<hbm>>
    %dma_wait3A_273 = tpu.memref_squeeze %dma_wait3A_272 : memref<1x128x256xf32, #tpu.memory_space<hbm>> -> memref<128x256xf32, #tpu.memory_space<hbm>>
    %dma_wait3A_274 = arith.constant 0 : i32
    %dma_wait3A_275 = arith.constant 0 : i32
    %dma_wait3A_276 = tpu.memref_slice %arg5[%dma_wait3A_261, %dma_wait3A_274, %dma_wait3A_275] : memref<2x128x256xf32, #tpu.memory_space<vmem>> -> memref<1x128x256xf32, #tpu.memory_space<vmem>>
    %dma_wait3A_277 = tpu.memref_squeeze %dma_wait3A_276 : memref<1x128x256xf32, #tpu.memory_space<vmem>> -> memref<128x256xf32, #tpu.memory_space<vmem>>
    tpu.wait_dma2 semaphore(%arg8 : memref<!tpu.dma_semaphore, #tpu.memory_space<semaphore_mem>>) src(%dma_wait3A_277 : memref<128x256xf32, #tpu.memory_space<vmem>>) dst(%dma_wait3A_273 : memref<128x256xf32, #tpu.memory_space<hbm>>)
    %dma_start3A_278 = arith.constant 0 : i32
    %dma_start3A_279 = arith.constant 0 : i32
    %dma_start3A_280 = arith.constant 0 : i32
    %dma_start3A_281 = tpu.memref_slice %arg5[%dma_start3A_278, %dma_start3A_279, %dma_start3A_280] : memref<2x128x256xf32, #tpu.memory_space<vmem>> -> memref<1x128x256xf32, #tpu.memory_space<vmem>>
    %dma_start3A_282 = tpu.memref_squeeze %dma_start3A_281 : memref<1x128x256xf32, #tpu.memory_space<vmem>> -> memref<128x256xf32, #tpu.memory_space<vmem>>
    %dma_start3A_283 = arith.constant 512 : i32
    %dma_start3A_284 = arith.constant 0 : i32
    %dma_start3A_285 = tpu.memref_slice %arg2[%dma_start3A_283, %dma_start3A_284] : memref<2048x256xf32, #tpu.memory_space<hbm>> -> memref<128x256xf32, #tpu.memory_space<hbm>>
    %dma_start3A_286 = arith.constant 0 : i32
    %dma_start3A_287 = arith.constant 0 : i32
    %dma_start3A_288 = tpu.memref_slice %arg5[%dma_start3A_278, %dma_start3A_286, %dma_start3A_287] : memref<2x128x256xf32, #tpu.memory_space<vmem>> -> memref<1x128x256xf32, #tpu.memory_space<vmem>>
    %dma_start3A_289 = tpu.memref_squeeze %dma_start3A_288 : memref<1x128x256xf32, #tpu.memory_space<vmem>> -> memref<128x256xf32, #tpu.memory_space<vmem>>
    %dma_start3A_290 = arith.constant 512 : i32
    %dma_start3A_291 = arith.constant 0 : i32
    %dma_start3A_292 = tpu.memref_slice %arg2[%dma_start3A_290, %dma_start3A_291] : memref<2048x256xf32, #tpu.memory_space<hbm>> -> memref<128x256xf32, #tpu.memory_space<hbm>>
    tpu.enqueue_dma source(%dma_start3A_292 : memref<128x256xf32, #tpu.memory_space<hbm>>) target(%dma_start3A_289 : memref<128x256xf32, #tpu.memory_space<vmem>>) target_semaphore(%arg7 : memref<!tpu.dma_semaphore, #tpu.memory_space<semaphore_mem>>)
    %dma_wait3A_293 = arith.constant 0 : i32
    %dma_wait3A_294 = arith.constant 0 : i32
    %dma_wait3A_295 = arith.constant 0 : i32
    %dma_wait3A_296 = tpu.memref_slice %arg5[%dma_wait3A_293, %dma_wait3A_294, %dma_wait3A_295] : memref<2x128x256xf32, #tpu.memory_space<vmem>> -> memref<1x128x256xf32, #tpu.memory_space<vmem>>
    %dma_wait3A_297 = tpu.memref_squeeze %dma_wait3A_296 : memref<1x128x256xf32, #tpu.memory_space<vmem>> -> memref<128x256xf32, #tpu.memory_space<vmem>>
    %dma_wait3A_298 = arith.constant 512 : i32
    %dma_wait3A_299 = arith.constant 0 : i32
    %dma_wait3A_300 = tpu.memref_slice %arg2[%dma_wait3A_298, %dma_wait3A_299] : memref<2048x256xf32, #tpu.memory_space<hbm>> -> memref<128x256xf32, #tpu.memory_space<hbm>>
    %dma_wait3A_301 = arith.constant 0 : i32
    %dma_wait3A_302 = arith.constant 0 : i32
    %dma_wait3A_303 = tpu.memref_slice %arg5[%dma_wait3A_293, %dma_wait3A_301, %dma_wait3A_302] : memref<2x128x256xf32, #tpu.memory_space<vmem>> -> memref<1x128x256xf32, #tpu.memory_space<vmem>>
    %dma_wait3A_304 = tpu.memref_squeeze %dma_wait3A_303 : memref<1x128x256xf32, #tpu.memory_space<vmem>> -> memref<128x256xf32, #tpu.memory_space<vmem>>
    %dma_wait3A_305 = arith.constant 512 : i32
    %dma_wait3A_306 = arith.constant 0 : i32
    %dma_wait3A_307 = tpu.memref_slice %arg2[%dma_wait3A_305, %dma_wait3A_306] : memref<2048x256xf32, #tpu.memory_space<hbm>> -> memref<128x256xf32, #tpu.memory_space<hbm>>
    tpu.wait_dma2 semaphore(%arg7 : memref<!tpu.dma_semaphore, #tpu.memory_space<semaphore_mem>>) src(%dma_wait3A_307 : memref<128x256xf32, #tpu.memory_space<hbm>>) dst(%dma_wait3A_304 : memref<128x256xf32, #tpu.memory_space<vmem>>)
    %dma_start3A_308 = arith.constant 0 : i32
    %dma_start3A_309 = arith.constant 0 : i32
    %dma_start3A_310 = arith.constant 0 : i32
    %dma_start3A_311 = tpu.memref_slice %arg5[%dma_start3A_308, %dma_start3A_309, %dma_start3A_310] : memref<2x128x256xf32, #tpu.memory_space<vmem>> -> memref<1x128x256xf32, #tpu.memory_space<vmem>>
    %dma_start3A_312 = tpu.memref_squeeze %dma_start3A_311 : memref<1x128x256xf32, #tpu.memory_space<vmem>> -> memref<128x256xf32, #tpu.memory_space<vmem>>
    %dma_start3A_313 = arith.constant 512 : i32
    %dma_start3A_314 = arith.constant 0 : i32
    %dma_start3A_315 = tpu.memref_slice %arg3[%add3A_17, %dma_start3A_313, %dma_start3A_314] : memref<64x2048x256xf32, #tpu.memory_space<hbm>> -> memref<1x128x256xf32, #tpu.memory_space<hbm>>
    %dma_start3A_316 = tpu.memref_squeeze %dma_start3A_315 : memref<1x128x256xf32, #tpu.memory_space<hbm>> -> memref<128x256xf32, #tpu.memory_space<hbm>>
    %dma_start3A_317 = arith.constant 512 : i32
    %dma_start3A_318 = arith.constant 0 : i32
    %dma_start3A_319 = tpu.memref_slice %arg3[%add3A_17, %dma_start3A_317, %dma_start3A_318] : memref<64x2048x256xf32, #tpu.memory_space<hbm>> -> memref<1x128x256xf32, #tpu.memory_space<hbm>>
    %dma_start3A_320 = tpu.memref_squeeze %dma_start3A_319 : memref<1x128x256xf32, #tpu.memory_space<hbm>> -> memref<128x256xf32, #tpu.memory_space<hbm>>
    %dma_start3A_321 = arith.constant 0 : i32
    %dma_start3A_322 = arith.constant 0 : i32
    %dma_start3A_323 = tpu.memref_slice %arg5[%dma_start3A_308, %dma_start3A_321, %dma_start3A_322] : memref<2x128x256xf32, #tpu.memory_space<vmem>> -> memref<1x128x256xf32, #tpu.memory_space<vmem>>
    %dma_start3A_324 = tpu.memref_squeeze %dma_start3A_323 : memref<1x128x256xf32, #tpu.memory_space<vmem>> -> memref<128x256xf32, #tpu.memory_space<vmem>>
    tpu.enqueue_dma source(%dma_start3A_324 : memref<128x256xf32, #tpu.memory_space<vmem>>) target(%dma_start3A_320 : memref<128x256xf32, #tpu.memory_space<hbm>>) target_semaphore(%arg8 : memref<!tpu.dma_semaphore, #tpu.memory_space<semaphore_mem>>)
    %dma_wait3A_325 = arith.constant 1 : i32
    %dma_wait3A_326 = arith.constant 0 : i32
    %dma_wait3A_327 = arith.constant 0 : i32
    %dma_wait3A_328 = tpu.memref_slice %arg5[%dma_wait3A_325, %dma_wait3A_326, %dma_wait3A_327] : memref<2x128x256xf32, #tpu.memory_space<vmem>> -> memref<1x128x256xf32, #tpu.memory_space<vmem>>
    %dma_wait3A_329 = tpu.memref_squeeze %dma_wait3A_328 : memref<1x128x256xf32, #tpu.memory_space<vmem>> -> memref<128x256xf32, #tpu.memory_space<vmem>>
    %dma_wait3A_330 = arith.constant 384 : i32
    %dma_wait3A_331 = arith.constant 0 : i32
    %dma_wait3A_332 = tpu.memref_slice %arg3[%add3A_15, %dma_wait3A_330, %dma_wait3A_331] : memref<64x2048x256xf32, #tpu.memory_space<hbm>> -> memref<1x128x256xf32, #tpu.memory_space<hbm>>
    %dma_wait3A_333 = tpu.memref_squeeze %dma_wait3A_332 : memref<1x128x256xf32, #tpu.memory_space<hbm>> -> memref<128x256xf32, #tpu.memory_space<hbm>>
    %dma_wait3A_334 = arith.constant 384 : i32
    %dma_wait3A_335 = arith.constant 0 : i32
    %dma_wait3A_336 = tpu.memref_slice %arg3[%add3A_15, %dma_wait3A_334, %dma_wait3A_335] : memref<64x2048x256xf32, #tpu.memory_space<hbm>> -> memref<1x128x256xf32, #tpu.memory_space<hbm>>
    %dma_wait3A_337 = tpu.memref_squeeze %dma_wait3A_336 : memref<1x128x256xf32, #tpu.memory_space<hbm>> -> memref<128x256xf32, #tpu.memory_space<hbm>>
    %dma_wait3A_338 = arith.constant 0 : i32
    %dma_wait3A_339 = arith.constant 0 : i32
    %dma_wait3A_340 = tpu.memref_slice %arg5[%dma_wait3A_325, %dma_wait3A_338, %dma_wait3A_339] : memref<2x128x256xf32, #tpu.memory_space<vmem>> -> memref<1x128x256xf32, #tpu.memory_space<vmem>>
    %dma_wait3A_341 = tpu.memref_squeeze %dma_wait3A_340 : memref<1x128x256xf32, #tpu.memory_space<vmem>> -> memref<128x256xf32, #tpu.memory_space<vmem>>
    tpu.wait_dma2 semaphore(%arg8 : memref<!tpu.dma_semaphore, #tpu.memory_space<semaphore_mem>>) src(%dma_wait3A_341 : memref<128x256xf32, #tpu.memory_space<vmem>>) dst(%dma_wait3A_337 : memref<128x256xf32, #tpu.memory_space<hbm>>)
    %dma_start3A_342 = arith.constant 1 : i32
    %dma_start3A_343 = arith.constant 0 : i32
    %dma_start3A_344 = arith.constant 0 : i32
    %dma_start3A_345 = tpu.memref_slice %arg5[%dma_start3A_342, %dma_start3A_343, %dma_start3A_344] : memref<2x128x256xf32, #tpu.memory_space<vmem>> -> memref<1x128x256xf32, #tpu.memory_space<vmem>>
    %dma_start3A_346 = tpu.memref_squeeze %dma_start3A_345 : memref<1x128x256xf32, #tpu.memory_space<vmem>> -> memref<128x256xf32, #tpu.memory_space<vmem>>
    %dma_start3A_347 = arith.constant 640 : i32
    %dma_start3A_348 = arith.constant 0 : i32
    %dma_start3A_349 = tpu.memref_slice %arg2[%dma_start3A_347, %dma_start3A_348] : memref<2048x256xf32, #tpu.memory_space<hbm>> -> memref<128x256xf32, #tpu.memory_space<hbm>>
    %dma_start3A_350 = arith.constant 0 : i32
    %dma_start3A_351 = arith.constant 0 : i32
    %dma_start3A_352 = tpu.memref_slice %arg5[%dma_start3A_342, %dma_start3A_350, %dma_start3A_351] : memref<2x128x256xf32, #tpu.memory_space<vmem>> -> memref<1x128x256xf32, #tpu.memory_space<vmem>>
    %dma_start3A_353 = tpu.memref_squeeze %dma_start3A_352 : memref<1x128x256xf32, #tpu.memory_space<vmem>> -> memref<128x256xf32, #tpu.memory_space<vmem>>
    %dma_start3A_354 = arith.constant 640 : i32
    %dma_start3A_355 = arith.constant 0 : i32
    %dma_start3A_356 = tpu.memref_slice %arg2[%dma_start3A_354, %dma_start3A_355] : memref<2048x256xf32, #tpu.memory_space<hbm>> -> memref<128x256xf32, #tpu.memory_space<hbm>>
    tpu.enqueue_dma source(%dma_start3A_356 : memref<128x256xf32, #tpu.memory_space<hbm>>) target(%dma_start3A_353 : memref<128x256xf32, #tpu.memory_space<vmem>>) target_semaphore(%arg7 : memref<!tpu.dma_semaphore, #tpu.memory_space<semaphore_mem>>)
    %dma_wait3A_357 = arith.constant 1 : i32
    %dma_wait3A_358 = arith.constant 0 : i32
    %dma_wait3A_359 = arith.constant 0 : i32
    %dma_wait3A_360 = tpu.memref_slice %arg5[%dma_wait3A_357, %dma_wait3A_358, %dma_wait3A_359] : memref<2x128x256xf32, #tpu.memory_space<vmem>> -> memref<1x128x256xf32, #tpu.memory_space<vmem>>
    %dma_wait3A_361 = tpu.memref_squeeze %dma_wait3A_360 : memref<1x128x256xf32, #tpu.memory_space<vmem>> -> memref<128x256xf32, #tpu.memory_space<vmem>>
    %dma_wait3A_362 = arith.constant 640 : i32
    %dma_wait3A_363 = arith.constant 0 : i32
    %dma_wait3A_364 = tpu.memref_slice %arg2[%dma_wait3A_362, %dma_wait3A_363] : memref<2048x256xf32, #tpu.memory_space<hbm>> -> memref<128x256xf32, #tpu.memory_space<hbm>>
    %dma_wait3A_365 = arith.constant 0 : i32
    %dma_wait3A_366 = arith.constant 0 : i32
    %dma_wait3A_367 = tpu.memref_slice %arg5[%dma_wait3A_357, %dma_wait3A_365, %dma_wait3A_366] : memref<2x128x256xf32, #tpu.memory_space<vmem>> -> memref<1x128x256xf32, #tpu.memory_space<vmem>>
    %dma_wait3A_368 = tpu.memref_squeeze %dma_wait3A_367 : memref<1x128x256xf32, #tpu.memory_space<vmem>> -> memref<128x256xf32, #tpu.memory_space<vmem>>
    %dma_wait3A_369 = arith.constant 640 : i32
    %dma_wait3A_370 = arith.constant 0 : i32
    %dma_wait3A_371 = tpu.memref_slice %arg2[%dma_wait3A_369, %dma_wait3A_370] : memref<2048x256xf32, #tpu.memory_space<hbm>> -> memref<128x256xf32, #tpu.memory_space<hbm>>
    tpu.wait_dma2 semaphore(%arg7 : memref<!tpu.dma_semaphore, #tpu.memory_space<semaphore_mem>>) src(%dma_wait3A_371 : memref<128x256xf32, #tpu.memory_space<hbm>>) dst(%dma_wait3A_368 : memref<128x256xf32, #tpu.memory_space<vmem>>)
    %dma_start3A_372 = arith.constant 1 : i32
    %dma_start3A_373 = arith.constant 0 : i32
    %dma_start3A_374 = arith.constant 0 : i32
    %dma_start3A_375 = tpu.memref_slice %arg5[%dma_start3A_372, %dma_start3A_373, %dma_start3A_374] : memref<2x128x256xf32, #tpu.memory_space<vmem>> -> memref<1x128x256xf32, #tpu.memory_space<vmem>>
    %dma_start3A_376 = tpu.memref_squeeze %dma_start3A_375 : memref<1x128x256xf32, #tpu.memory_space<vmem>> -> memref<128x256xf32, #tpu.memory_space<vmem>>
    %dma_start3A_377 = arith.constant 640 : i32
    %dma_start3A_378 = arith.constant 0 : i32
    %dma_start3A_379 = tpu.memref_slice %arg3[%add3A_19, %dma_start3A_377, %dma_start3A_378] : memref<64x2048x256xf32, #tpu.memory_space<hbm>> -> memref<1x128x256xf32, #tpu.memory_space<hbm>>
    %dma_start3A_380 = tpu.memref_squeeze %dma_start3A_379 : memref<1x128x256xf32, #tpu.memory_space<hbm>> -> memref<128x256xf32, #tpu.memory_space<hbm>>
    %dma_start3A_381 = arith.constant 640 : i32
    %dma_start3A_382 = arith.constant 0 : i32
    %dma_start3A_383 = tpu.memref_slice %arg3[%add3A_19, %dma_start3A_381, %dma_start3A_382] : memref<64x2048x256xf32, #tpu.memory_space<hbm>> -> memref<1x128x256xf32, #tpu.memory_space<hbm>>
    %dma_start3A_384 = tpu.memref_squeeze %dma_start3A_383 : memref<1x128x256xf32, #tpu.memory_space<hbm>> -> memref<128x256xf32, #tpu.memory_space<hbm>>
    %dma_start3A_385 = arith.constant 0 : i32
    %dma_start3A_386 = arith.constant 0 : i32
    %dma_start3A_387 = tpu.memref_slice %arg5[%dma_start3A_372, %dma_start3A_385, %dma_start3A_386] : memref<2x128x256xf32, #tpu.memory_space<vmem>> -> memref<1x128x256xf32, #tpu.memory_space<vmem>>
    %dma_start3A_388 = tpu.memref_squeeze %dma_start3A_387 : memref<1x128x256xf32, #tpu.memory_space<vmem>> -> memref<128x256xf32, #tpu.memory_space<vmem>>
    tpu.enqueue_dma source(%dma_start3A_388 : memref<128x256xf32, #tpu.memory_space<vmem>>) target(%dma_start3A_384 : memref<128x256xf32, #tpu.memory_space<hbm>>) target_semaphore(%arg8 : memref<!tpu.dma_semaphore, #tpu.memory_space<semaphore_mem>>)
    %dma_wait3A_389 = arith.constant 0 : i32
    %dma_wait3A_390 = arith.constant 0 : i32
    %dma_wait3A_391 = arith.constant 0 : i32
    %dma_wait3A_392 = tpu.memref_slice %arg5[%dma_wait3A_389, %dma_wait3A_390, %dma_wait3A_391] : memref<2x128x256xf32, #tpu.memory_space<vmem>> -> memref<1x128x256xf32, #tpu.memory_space<vmem>>
    %dma_wait3A_393 = tpu.memref_squeeze %dma_wait3A_392 : memref<1x128x256xf32, #tpu.memory_space<vmem>> -> memref<128x256xf32, #tpu.memory_space<vmem>>
    %dma_wait3A_394 = arith.constant 512 : i32
    %dma_wait3A_395 = arith.constant 0 : i32
    %dma_wait3A_396 = tpu.memref_slice %arg3[%add3A_17, %dma_wait3A_394, %dma_wait3A_395] : memref<64x2048x256xf32, #tpu.memory_space<hbm>> -> memref<1x128x256xf32, #tpu.memory_space<hbm>>
    %dma_wait3A_397 = tpu.memref_squeeze %dma_wait3A_396 : memref<1x128x256xf32, #tpu.memory_space<hbm>> -> memref<128x256xf32, #tpu.memory_space<hbm>>
    %dma_wait3A_398 = arith.constant 512 : i32
    %dma_wait3A_399 = arith.constant 0 : i32
    %dma_wait3A_400 = tpu.memref_slice %arg3[%add3A_17, %dma_wait3A_398, %dma_wait3A_399] : memref<64x2048x256xf32, #tpu.memory_space<hbm>> -> memref<1x128x256xf32, #tpu.memory_space<hbm>>
    %dma_wait3A_401 = tpu.memref_squeeze %dma_wait3A_400 : memref<1x128x256xf32, #tpu.memory_space<hbm>> -> memref<128x256xf32, #tpu.memory_space<hbm>>
    %dma_wait3A_402 = arith.constant 0 : i32
    %dma_wait3A_403 = arith.constant 0 : i32
    %dma_wait3A_404 = tpu.memref_slice %arg5[%dma_wait3A_389, %dma_wait3A_402, %dma_wait3A_403] : memref<2x128x256xf32, #tpu.memory_space<vmem>> -> memref<1x128x256xf32, #tpu.memory_space<vmem>>
    %dma_wait3A_405 = tpu.memref_squeeze %dma_wait3A_404 : memref<1x128x256xf32, #tpu.memory_space<vmem>> -> memref<128x256xf32, #tpu.memory_space<vmem>>
    tpu.wait_dma2 semaphore(%arg8 : memref<!tpu.dma_semaphore, #tpu.memory_space<semaphore_mem>>) src(%dma_wait3A_405 : memref<128x256xf32, #tpu.memory_space<vmem>>) dst(%dma_wait3A_401 : memref<128x256xf32, #tpu.memory_space<hbm>>)
    %dma_start3A_406 = arith.constant 0 : i32
    %dma_start3A_407 = arith.constant 0 : i32
    %dma_start3A_408 = arith.constant 0 : i32
    %dma_start3A_409 = tpu.memref_slice %arg5[%dma_start3A_406, %dma_start3A_407, %dma_start3A_408] : memref<2x128x256xf32, #tpu.memory_space<vmem>> -> memref<1x128x256xf32, #tpu.memory_space<vmem>>
    %dma_start3A_410 = tpu.memref_squeeze %dma_start3A_409 : memref<1x128x256xf32, #tpu.memory_space<vmem>> -> memref<128x256xf32, #tpu.memory_space<vmem>>
    %dma_start3A_411 = arith.constant 768 : i32
    %dma_start3A_412 = arith.constant 0 : i32
    %dma_start3A_413 = tpu.memref_slice %arg2[%dma_start3A_411, %dma_start3A_412] : memref<2048x256xf32, #tpu.memory_space<hbm>> -> memref<128x256xf32, #tpu.memory_space<hbm>>
    %dma_start3A_414 = arith.constant 0 : i32
    %dma_start3A_415 = arith.constant 0 : i32
    %dma_start3A_416 = tpu.memref_slice %arg5[%dma_start3A_406, %dma_start3A_414, %dma_start3A_415] : memref<2x128x256xf32, #tpu.memory_space<vmem>> -> memref<1x128x256xf32, #tpu.memory_space<vmem>>
    %dma_start3A_417 = tpu.memref_squeeze %dma_start3A_416 : memref<1x128x256xf32, #tpu.memory_space<vmem>> -> memref<128x256xf32, #tpu.memory_space<vmem>>
    %dma_start3A_418 = arith.constant 768 : i32
    %dma_start3A_419 = arith.constant 0 : i32
    %dma_start3A_420 = tpu.memref_slice %arg2[%dma_start3A_418, %dma_start3A_419] : memref<2048x256xf32, #tpu.memory_space<hbm>> -> memref<128x256xf32, #tpu.memory_space<hbm>>
    tpu.enqueue_dma source(%dma_start3A_420 : memref<128x256xf32, #tpu.memory_space<hbm>>) target(%dma_start3A_417 : memref<128x256xf32, #tpu.memory_space<vmem>>) target_semaphore(%arg7 : memref<!tpu.dma_semaphore, #tpu.memory_space<semaphore_mem>>)
    %dma_wait3A_421 = arith.constant 0 : i32
    %dma_wait3A_422 = arith.constant 0 : i32
    %dma_wait3A_423 = arith.constant 0 : i32
    %dma_wait3A_424 = tpu.memref_slice %arg5[%dma_wait3A_421, %dma_wait3A_422, %dma_wait3A_423] : memref<2x128x256xf32, #tpu.memory_space<vmem>> -> memref<1x128x256xf32, #tpu.memory_space<vmem>>
    %dma_wait3A_425 = tpu.memref_squeeze %dma_wait3A_424 : memref<1x128x256xf32, #tpu.memory_space<vmem>> -> memref<128x256xf32, #tpu.memory_space<vmem>>
    %dma_wait3A_426 = arith.constant 768 : i32
    %dma_wait3A_427 = arith.constant 0 : i32
    %dma_wait3A_428 = tpu.memref_slice %arg2[%dma_wait3A_426, %dma_wait3A_427] : memref<2048x256xf32, #tpu.memory_space<hbm>> -> memref<128x256xf32, #tpu.memory_space<hbm>>
    %dma_wait3A_429 = arith.constant 0 : i32
    %dma_wait3A_430 = arith.constant 0 : i32
    %dma_wait3A_431 = tpu.memref_slice %arg5[%dma_wait3A_421, %dma_wait3A_429, %dma_wait3A_430] : memref<2x128x256xf32, #tpu.memory_space<vmem>> -> memref<1x128x256xf32, #tpu.memory_space<vmem>>
    %dma_wait3A_432 = tpu.memref_squeeze %dma_wait3A_431 : memref<1x128x256xf32, #tpu.memory_space<vmem>> -> memref<128x256xf32, #tpu.memory_space<vmem>>
    %dma_wait3A_433 = arith.constant 768 : i32
    %dma_wait3A_434 = arith.constant 0 : i32
    %dma_wait3A_435 = tpu.memref_slice %arg2[%dma_wait3A_433, %dma_wait3A_434] : memref<2048x256xf32, #tpu.memory_space<hbm>> -> memref<128x256xf32, #tpu.memory_space<hbm>>
    tpu.wait_dma2 semaphore(%arg7 : memref<!tpu.dma_semaphore, #tpu.memory_space<semaphore_mem>>) src(%dma_wait3A_435 : memref<128x256xf32, #tpu.memory_space<hbm>>) dst(%dma_wait3A_432 : memref<128x256xf32, #tpu.memory_space<vmem>>)
    %dma_start3A_436 = arith.constant 0 : i32
    %dma_start3A_437 = arith.constant 0 : i32
    %dma_start3A_438 = arith.constant 0 : i32
    %dma_start3A_439 = tpu.memref_slice %arg5[%dma_start3A_436, %dma_start3A_437, %dma_start3A_438] : memref<2x128x256xf32, #tpu.memory_space<vmem>> -> memref<1x128x256xf32, #tpu.memory_space<vmem>>
    %dma_start3A_440 = tpu.memref_squeeze %dma_start3A_439 : memref<1x128x256xf32, #tpu.memory_space<vmem>> -> memref<128x256xf32, #tpu.memory_space<vmem>>
    %dma_start3A_441 = arith.constant 768 : i32
    %dma_start3A_442 = arith.constant 0 : i32
    %dma_start3A_443 = tpu.memref_slice %arg3[%add3A_21, %dma_start3A_441, %dma_start3A_442] : memref<64x2048x256xf32, #tpu.memory_space<hbm>> -> memref<1x128x256xf32, #tpu.memory_space<hbm>>
    %dma_start3A_444 = tpu.memref_squeeze %dma_start3A_443 : memref<1x128x256xf32, #tpu.memory_space<hbm>> -> memref<128x256xf32, #tpu.memory_space<hbm>>
    %dma_start3A_445 = arith.constant 768 : i32
    %dma_start3A_446 = arith.constant 0 : i32
    %dma_start3A_447 = tpu.memref_slice %arg3[%add3A_21, %dma_start3A_445, %dma_start3A_446] : memref<64x2048x256xf32, #tpu.memory_space<hbm>> -> memref<1x128x256xf32, #tpu.memory_space<hbm>>
    %dma_start3A_448 = tpu.memref_squeeze %dma_start3A_447 : memref<1x128x256xf32, #tpu.memory_space<hbm>> -> memref<128x256xf32, #tpu.memory_space<hbm>>
    %dma_start3A_449 = arith.constant 0 : i32
    %dma_start3A_450 = arith.constant 0 : i32
    %dma_start3A_451 = tpu.memref_slice %arg5[%dma_start3A_436, %dma_start3A_449, %dma_start3A_450] : memref<2x128x256xf32, #tpu.memory_space<vmem>> -> memref<1x128x256xf32, #tpu.memory_space<vmem>>
    %dma_start3A_452 = tpu.memref_squeeze %dma_start3A_451 : memref<1x128x256xf32, #tpu.memory_space<vmem>> -> memref<128x256xf32, #tpu.memory_space<vmem>>
    tpu.enqueue_dma source(%dma_start3A_452 : memref<128x256xf32, #tpu.memory_space<vmem>>) target(%dma_start3A_448 : memref<128x256xf32, #tpu.memory_space<hbm>>) target_semaphore(%arg8 : memref<!tpu.dma_semaphore, #tpu.memory_space<semaphore_mem>>)
    %dma_wait3A_453 = arith.constant 1 : i32
    %dma_wait3A_454 = arith.constant 0 : i32
    %dma_wait3A_455 = arith.constant 0 : i32
    %dma_wait3A_456 = tpu.memref_slice %arg5[%dma_wait3A_453, %dma_wait3A_454, %dma_wait3A_455] : memref<2x128x256xf32, #tpu.memory_space<vmem>> -> memref<1x128x256xf32, #tpu.memory_space<vmem>>
    %dma_wait3A_457 = tpu.memref_squeeze %dma_wait3A_456 : memref<1x128x256xf32, #tpu.memory_space<vmem>> -> memref<128x256xf32, #tpu.memory_space<vmem>>
    %dma_wait3A_458 = arith.constant 640 : i32
    %dma_wait3A_459 = arith.constant 0 : i32
    %dma_wait3A_460 = tpu.memref_slice %arg3[%add3A_19, %dma_wait3A_458, %dma_wait3A_459] : memref<64x2048x256xf32, #tpu.memory_space<hbm>> -> memref<1x128x256xf32, #tpu.memory_space<hbm>>
    %dma_wait3A_461 = tpu.memref_squeeze %dma_wait3A_460 : memref<1x128x256xf32, #tpu.memory_space<hbm>> -> memref<128x256xf32, #tpu.memory_space<hbm>>
    %dma_wait3A_462 = arith.constant 640 : i32
    %dma_wait3A_463 = arith.constant 0 : i32
    %dma_wait3A_464 = tpu.memref_slice %arg3[%add3A_19, %dma_wait3A_462, %dma_wait3A_463] : memref<64x2048x256xf32, #tpu.memory_space<hbm>> -> memref<1x128x256xf32, #tpu.memory_space<hbm>>
    %dma_wait3A_465 = tpu.memref_squeeze %dma_wait3A_464 : memref<1x128x256xf32, #tpu.memory_space<hbm>> -> memref<128x256xf32, #tpu.memory_space<hbm>>
    %dma_wait3A_466 = arith.constant 0 : i32
    %dma_wait3A_467 = arith.constant 0 : i32
    %dma_wait3A_468 = tpu.memref_slice %arg5[%dma_wait3A_453, %dma_wait3A_466, %dma_wait3A_467] : memref<2x128x256xf32, #tpu.memory_space<vmem>> -> memref<1x128x256xf32, #tpu.memory_space<vmem>>
    %dma_wait3A_469 = tpu.memref_squeeze %dma_wait3A_468 : memref<1x128x256xf32, #tpu.memory_space<vmem>> -> memref<128x256xf32, #tpu.memory_space<vmem>>
    tpu.wait_dma2 semaphore(%arg8 : memref<!tpu.dma_semaphore, #tpu.memory_space<semaphore_mem>>) src(%dma_wait3A_469 : memref<128x256xf32, #tpu.memory_space<vmem>>) dst(%dma_wait3A_465 : memref<128x256xf32, #tpu.memory_space<hbm>>)
    %dma_start3A_470 = arith.constant 1 : i32
    %dma_start3A_471 = arith.constant 0 : i32
    %dma_start3A_472 = arith.constant 0 : i32
    %dma_start3A_473 = tpu.memref_slice %arg5[%dma_start3A_470, %dma_start3A_471, %dma_start3A_472] : memref<2x128x256xf32, #tpu.memory_space<vmem>> -> memref<1x128x256xf32, #tpu.memory_space<vmem>>
    %dma_start3A_474 = tpu.memref_squeeze %dma_start3A_473 : memref<1x128x256xf32, #tpu.memory_space<vmem>> -> memref<128x256xf32, #tpu.memory_space<vmem>>
    %dma_start3A_475 = arith.constant 896 : i32
    %dma_start3A_476 = arith.constant 0 : i32
    %dma_start3A_477 = tpu.memref_slice %arg2[%dma_start3A_475, %dma_start3A_476] : memref<2048x256xf32, #tpu.memory_space<hbm>> -> memref<128x256xf32, #tpu.memory_space<hbm>>
    %dma_start3A_478 = arith.constant 0 : i32
    %dma_start3A_479 = arith.constant 0 : i32
    %dma_start3A_480 = tpu.memref_slice %arg5[%dma_start3A_470, %dma_start3A_478, %dma_start3A_479] : memref<2x128x256xf32, #tpu.memory_space<vmem>> -> memref<1x128x256xf32, #tpu.memory_space<vmem>>
    %dma_start3A_481 = tpu.memref_squeeze %dma_start3A_480 : memref<1x128x256xf32, #tpu.memory_space<vmem>> -> memref<128x256xf32, #tpu.memory_space<vmem>>
    %dma_start3A_482 = arith.constant 896 : i32
    %dma_start3A_483 = arith.constant 0 : i32
    %dma_start3A_484 = tpu.memref_slice %arg2[%dma_start3A_482, %dma_start3A_483] : memref<2048x256xf32, #tpu.memory_space<hbm>> -> memref<128x256xf32, #tpu.memory_space<hbm>>
    tpu.enqueue_dma source(%dma_start3A_484 : memref<128x256xf32, #tpu.memory_space<hbm>>) target(%dma_start3A_481 : memref<128x256xf32, #tpu.memory_space<vmem>>) target_semaphore(%arg7 : memref<!tpu.dma_semaphore, #tpu.memory_space<semaphore_mem>>)
    %dma_wait3A_485 = arith.constant 1 : i32
    %dma_wait3A_486 = arith.constant 0 : i32
    %dma_wait3A_487 = arith.constant 0 : i32
    %dma_wait3A_488 = tpu.memref_slice %arg5[%dma_wait3A_485, %dma_wait3A_486, %dma_wait3A_487] : memref<2x128x256xf32, #tpu.memory_space<vmem>> -> memref<1x128x256xf32, #tpu.memory_space<vmem>>
    %dma_wait3A_489 = tpu.memref_squeeze %dma_wait3A_488 : memref<1x128x256xf32, #tpu.memory_space<vmem>> -> memref<128x256xf32, #tpu.memory_space<vmem>>
    %dma_wait3A_490 = arith.constant 896 : i32
    %dma_wait3A_491 = arith.constant 0 : i32
    %dma_wait3A_492 = tpu.memref_slice %arg2[%dma_wait3A_490, %dma_wait3A_491] : memref<2048x256xf32, #tpu.memory_space<hbm>> -> memref<128x256xf32, #tpu.memory_space<hbm>>
    %dma_wait3A_493 = arith.constant 0 : i32
    %dma_wait3A_494 = arith.constant 0 : i32
    %dma_wait3A_495 = tpu.memref_slice %arg5[%dma_wait3A_485, %dma_wait3A_493, %dma_wait3A_494] : memref<2x128x256xf32, #tpu.memory_space<vmem>> -> memref<1x128x256xf32, #tpu.memory_space<vmem>>
    %dma_wait3A_496 = tpu.memref_squeeze %dma_wait3A_495 : memref<1x128x256xf32, #tpu.memory_space<vmem>> -> memref<128x256xf32, #tpu.memory_space<vmem>>
    %dma_wait3A_497 = arith.constant 896 : i32
    %dma_wait3A_498 = arith.constant 0 : i32
    %dma_wait3A_499 = tpu.memref_slice %arg2[%dma_wait3A_497, %dma_wait3A_498] : memref<2048x256xf32, #tpu.memory_space<hbm>> -> memref<128x256xf32, #tpu.memory_space<hbm>>
    tpu.wait_dma2 semaphore(%arg7 : memref<!tpu.dma_semaphore, #tpu.memory_space<semaphore_mem>>) src(%dma_wait3A_499 : memref<128x256xf32, #tpu.memory_space<hbm>>) dst(%dma_wait3A_496 : memref<128x256xf32, #tpu.memory_space<vmem>>)
    %dma_start3A_500 = arith.constant 1 : i32
    %dma_start3A_501 = arith.constant 0 : i32
    %dma_start3A_502 = arith.constant 0 : i32
    %dma_start3A_503 = tpu.memref_slice %arg5[%dma_start3A_500, %dma_start3A_501, %dma_start3A_502] : memref<2x128x256xf32, #tpu.memory_space<vmem>> -> memref<1x128x256xf32, #tpu.memory_space<vmem>>
    %dma_start3A_504 = tpu.memref_squeeze %dma_start3A_503 : memref<1x128x256xf32, #tpu.memory_space<vmem>> -> memref<128x256xf32, #tpu.memory_space<vmem>>
    %dma_start3A_505 = arith.constant 896 : i32
    %dma_start3A_506 = arith.constant 0 : i32
    %dma_start3A_507 = tpu.memref_slice %arg3[%add3A_23, %dma_start3A_505, %dma_start3A_506] : memref<64x2048x256xf32, #tpu.memory_space<hbm>> -> memref<1x128x256xf32, #tpu.memory_space<hbm>>
    %dma_start3A_508 = tpu.memref_squeeze %dma_start3A_507 : memref<1x128x256xf32, #tpu.memory_space<hbm>> -> memref<128x256xf32, #tpu.memory_space<hbm>>
    %dma_start3A_509 = arith.constant 896 : i32
    %dma_start3A_510 = arith.constant 0 : i32
    %dma_start3A_511 = tpu.memref_slice %arg3[%add3A_23, %dma_start3A_509, %dma_start3A_510] : memref<64x2048x256xf32, #tpu.memory_space<hbm>> -> memref<1x128x256xf32, #tpu.memory_space<hbm>>
    %dma_start3A_512 = tpu.memref_squeeze %dma_start3A_511 : memref<1x128x256xf32, #tpu.memory_space<hbm>> -> memref<128x256xf32, #tpu.memory_space<hbm>>
    %dma_start3A_513 = arith.constant 0 : i32
    %dma_start3A_514 = arith.constant 0 : i32
    %dma_start3A_515 = tpu.memref_slice %arg5[%dma_start3A_500, %dma_start3A_513, %dma_start3A_514] : memref<2x128x256xf32, #tpu.memory_space<vmem>> -> memref<1x128x256xf32, #tpu.memory_space<vmem>>
    %dma_start3A_516 = tpu.memref_squeeze %dma_start3A_515 : memref<1x128x256xf32, #tpu.memory_space<vmem>> -> memref<128x256xf32, #tpu.memory_space<vmem>>
    tpu.enqueue_dma source(%dma_start3A_516 : memref<128x256xf32, #tpu.memory_space<vmem>>) target(%dma_start3A_512 : memref<128x256xf32, #tpu.memory_space<hbm>>) target_semaphore(%arg8 : memref<!tpu.dma_semaphore, #tpu.memory_space<semaphore_mem>>)
    %dma_wait3A_517 = arith.constant 0 : i32
    %dma_wait3A_518 = arith.constant 0 : i32
    %dma_wait3A_519 = arith.constant 0 : i32
    %dma_wait3A_520 = tpu.memref_slice %arg5[%dma_wait3A_517, %dma_wait3A_518, %dma_wait3A_519] : memref<2x128x256xf32, #tpu.memory_space<vmem>> -> memref<1x128x256xf32, #tpu.memory_space<vmem>>
    %dma_wait3A_521 = tpu.memref_squeeze %dma_wait3A_520 : memref<1x128x256xf32, #tpu.memory_space<vmem>> -> memref<128x256xf32, #tpu.memory_space<vmem>>
    %dma_wait3A_522 = arith.constant 768 : i32
    %dma_wait3A_523 = arith.constant 0 : i32
    %dma_wait3A_524 = tpu.memref_slice %arg3[%add3A_21, %dma_wait3A_522, %dma_wait3A_523] : memref<64x2048x256xf32, #tpu.memory_space<hbm>> -> memref<1x128x256xf32, #tpu.memory_space<hbm>>
    %dma_wait3A_525 = tpu.memref_squeeze %dma_wait3A_524 : memref<1x128x256xf32, #tpu.memory_space<hbm>> -> memref<128x256xf32, #tpu.memory_space<hbm>>
    %dma_wait3A_526 = arith.constant 768 : i32
    %dma_wait3A_527 = arith.constant 0 : i32
    %dma_wait3A_528 = tpu.memref_slice %arg3[%add3A_21, %dma_wait3A_526, %dma_wait3A_527] : memref<64x2048x256xf32, #tpu.memory_space<hbm>> -> memref<1x128x256xf32, #tpu.memory_space<hbm>>
    %dma_wait3A_529 = tpu.memref_squeeze %dma_wait3A_528 : memref<1x128x256xf32, #tpu.memory_space<hbm>> -> memref<128x256xf32, #tpu.memory_space<hbm>>
    %dma_wait3A_530 = arith.constant 0 : i32
    %dma_wait3A_531 = arith.constant 0 : i32
    %dma_wait3A_532 = tpu.memref_slice %arg5[%dma_wait3A_517, %dma_wait3A_530, %dma_wait3A_531] : memref<2x128x256xf32, #tpu.memory_space<vmem>> -> memref<1x128x256xf32, #tpu.memory_space<vmem>>
    %dma_wait3A_533 = tpu.memref_squeeze %dma_wait3A_532 : memref<1x128x256xf32, #tpu.memory_space<vmem>> -> memref<128x256xf32, #tpu.memory_space<vmem>>
    tpu.wait_dma2 semaphore(%arg8 : memref<!tpu.dma_semaphore, #tpu.memory_space<semaphore_mem>>) src(%dma_wait3A_533 : memref<128x256xf32, #tpu.memory_space<vmem>>) dst(%dma_wait3A_529 : memref<128x256xf32, #tpu.memory_space<hbm>>)
    %dma_start3A_534 = arith.constant 0 : i32
    %dma_start3A_535 = arith.constant 0 : i32
    %dma_start3A_536 = arith.constant 0 : i32
    %dma_start3A_537 = tpu.memref_slice %arg5[%dma_start3A_534, %dma_start3A_535, %dma_start3A_536] : memref<2x128x256xf32, #tpu.memory_space<vmem>> -> memref<1x128x256xf32, #tpu.memory_space<vmem>>
    %dma_start3A_538 = tpu.memref_squeeze %dma_start3A_537 : memref<1x128x256xf32, #tpu.memory_space<vmem>> -> memref<128x256xf32, #tpu.memory_space<vmem>>
    %dma_start3A_539 = arith.constant 1024 : i32
    %dma_start3A_540 = arith.constant 0 : i32
    %dma_start3A_541 = tpu.memref_slice %arg2[%dma_start3A_539, %dma_start3A_540] : memref<2048x256xf32, #tpu.memory_space<hbm>> -> memref<128x256xf32, #tpu.memory_space<hbm>>
    %dma_start3A_542 = arith.constant 0 : i32
    %dma_start3A_543 = arith.constant 0 : i32
    %dma_start3A_544 = tpu.memref_slice %arg5[%dma_start3A_534, %dma_start3A_542, %dma_start3A_543] : memref<2x128x256xf32, #tpu.memory_space<vmem>> -> memref<1x128x256xf32, #tpu.memory_space<vmem>>
    %dma_start3A_545 = tpu.memref_squeeze %dma_start3A_544 : memref<1x128x256xf32, #tpu.memory_space<vmem>> -> memref<128x256xf32, #tpu.memory_space<vmem>>
    %dma_start3A_546 = arith.constant 1024 : i32
    %dma_start3A_547 = arith.constant 0 : i32
    %dma_start3A_548 = tpu.memref_slice %arg2[%dma_start3A_546, %dma_start3A_547] : memref<2048x256xf32, #tpu.memory_space<hbm>> -> memref<128x256xf32, #tpu.memory_space<hbm>>
    tpu.enqueue_dma source(%dma_start3A_548 : memref<128x256xf32, #tpu.memory_space<hbm>>) target(%dma_start3A_545 : memref<128x256xf32, #tpu.memory_space<vmem>>) target_semaphore(%arg7 : memref<!tpu.dma_semaphore, #tpu.memory_space<semaphore_mem>>)
    %dma_wait3A_549 = arith.constant 0 : i32
    %dma_wait3A_550 = arith.constant 0 : i32
    %dma_wait3A_551 = arith.constant 0 : i32
    %dma_wait3A_552 = tpu.memref_slice %arg5[%dma_wait3A_549, %dma_wait3A_550, %dma_wait3A_551] : memref<2x128x256xf32, #tpu.memory_space<vmem>> -> memref<1x128x256xf32, #tpu.memory_space<vmem>>
    %dma_wait3A_553 = tpu.memref_squeeze %dma_wait3A_552 : memref<1x128x256xf32, #tpu.memory_space<vmem>> -> memref<128x256xf32, #tpu.memory_space<vmem>>
    %dma_wait3A_554 = arith.constant 1024 : i32
    %dma_wait3A_555 = arith.constant 0 : i32
    %dma_wait3A_556 = tpu.memref_slice %arg2[%dma_wait3A_554, %dma_wait3A_555] : memref<2048x256xf32, #tpu.memory_space<hbm>> -> memref<128x256xf32, #tpu.memory_space<hbm>>
    %dma_wait3A_557 = arith.constant 0 : i32
    %dma_wait3A_558 = arith.constant 0 : i32
    %dma_wait3A_559 = tpu.memref_slice %arg5[%dma_wait3A_549, %dma_wait3A_557, %dma_wait3A_558] : memref<2x128x256xf32, #tpu.memory_space<vmem>> -> memref<1x128x256xf32, #tpu.memory_space<vmem>>
    %dma_wait3A_560 = tpu.memref_squeeze %dma_wait3A_559 : memref<1x128x256xf32, #tpu.memory_space<vmem>> -> memref<128x256xf32, #tpu.memory_space<vmem>>
    %dma_wait3A_561 = arith.constant 1024 : i32
    %dma_wait3A_562 = arith.constant 0 : i32
    %dma_wait3A_563 = tpu.memref_slice %arg2[%dma_wait3A_561, %dma_wait3A_562] : memref<2048x256xf32, #tpu.memory_space<hbm>> -> memref<128x256xf32, #tpu.memory_space<hbm>>
    tpu.wait_dma2 semaphore(%arg7 : memref<!tpu.dma_semaphore, #tpu.memory_space<semaphore_mem>>) src(%dma_wait3A_563 : memref<128x256xf32, #tpu.memory_space<hbm>>) dst(%dma_wait3A_560 : memref<128x256xf32, #tpu.memory_space<vmem>>)
    %dma_start3A_564 = arith.constant 0 : i32
    %dma_start3A_565 = arith.constant 0 : i32
    %dma_start3A_566 = arith.constant 0 : i32
    %dma_start3A_567 = tpu.memref_slice %arg5[%dma_start3A_564, %dma_start3A_565, %dma_start3A_566] : memref<2x128x256xf32, #tpu.memory_space<vmem>> -> memref<1x128x256xf32, #tpu.memory_space<vmem>>
    %dma_start3A_568 = tpu.memref_squeeze %dma_start3A_567 : memref<1x128x256xf32, #tpu.memory_space<vmem>> -> memref<128x256xf32, #tpu.memory_space<vmem>>
    %dma_start3A_569 = arith.constant 1024 : i32
    %dma_start3A_570 = arith.constant 0 : i32
    %dma_start3A_571 = tpu.memref_slice %arg3[%add3A_25, %dma_start3A_569, %dma_start3A_570] : memref<64x2048x256xf32, #tpu.memory_space<hbm>> -> memref<1x128x256xf32, #tpu.memory_space<hbm>>
    %dma_start3A_572 = tpu.memref_squeeze %dma_start3A_571 : memref<1x128x256xf32, #tpu.memory_space<hbm>> -> memref<128x256xf32, #tpu.memory_space<hbm>>
    %dma_start3A_573 = arith.constant 1024 : i32
    %dma_start3A_574 = arith.constant 0 : i32
    %dma_start3A_575 = tpu.memref_slice %arg3[%add3A_25, %dma_start3A_573, %dma_start3A_574] : memref<64x2048x256xf32, #tpu.memory_space<hbm>> -> memref<1x128x256xf32, #tpu.memory_space<hbm>>
    %dma_start3A_576 = tpu.memref_squeeze %dma_start3A_575 : memref<1x128x256xf32, #tpu.memory_space<hbm>> -> memref<128x256xf32, #tpu.memory_space<hbm>>
    %dma_start3A_577 = arith.constant 0 : i32
    %dma_start3A_578 = arith.constant 0 : i32
    %dma_start3A_579 = tpu.memref_slice %arg5[%dma_start3A_564, %dma_start3A_577, %dma_start3A_578] : memref<2x128x256xf32, #tpu.memory_space<vmem>> -> memref<1x128x256xf32, #tpu.memory_space<vmem>>
    %dma_start3A_580 = tpu.memref_squeeze %dma_start3A_579 : memref<1x128x256xf32, #tpu.memory_space<vmem>> -> memref<128x256xf32, #tpu.memory_space<vmem>>
    tpu.enqueue_dma source(%dma_start3A_580 : memref<128x256xf32, #tpu.memory_space<vmem>>) target(%dma_start3A_576 : memref<128x256xf32, #tpu.memory_space<hbm>>) target_semaphore(%arg8 : memref<!tpu.dma_semaphore, #tpu.memory_space<semaphore_mem>>)
    %dma_wait3A_581 = arith.constant 1 : i32
    %dma_wait3A_582 = arith.constant 0 : i32
    %dma_wait3A_583 = arith.constant 0 : i32
    %dma_wait3A_584 = tpu.memref_slice %arg5[%dma_wait3A_581, %dma_wait3A_582, %dma_wait3A_583] : memref<2x128x256xf32, #tpu.memory_space<vmem>> -> memref<1x128x256xf32, #tpu.memory_space<vmem>>
    %dma_wait3A_585 = tpu.memref_squeeze %dma_wait3A_584 : memref<1x128x256xf32, #tpu.memory_space<vmem>> -> memref<128x256xf32, #tpu.memory_space<vmem>>
    %dma_wait3A_586 = arith.constant 896 : i32
    %dma_wait3A_587 = arith.constant 0 : i32
    %dma_wait3A_588 = tpu.memref_slice %arg3[%add3A_23, %dma_wait3A_586, %dma_wait3A_587] : memref<64x2048x256xf32, #tpu.memory_space<hbm>> -> memref<1x128x256xf32, #tpu.memory_space<hbm>>
    %dma_wait3A_589 = tpu.memref_squeeze %dma_wait3A_588 : memref<1x128x256xf32, #tpu.memory_space<hbm>> -> memref<128x256xf32, #tpu.memory_space<hbm>>
    %dma_wait3A_590 = arith.constant 896 : i32
    %dma_wait3A_591 = arith.constant 0 : i32
    %dma_wait3A_592 = tpu.memref_slice %arg3[%add3A_23, %dma_wait3A_590, %dma_wait3A_591] : memref<64x2048x256xf32, #tpu.memory_space<hbm>> -> memref<1x128x256xf32, #tpu.memory_space<hbm>>
    %dma_wait3A_593 = tpu.memref_squeeze %dma_wait3A_592 : memref<1x128x256xf32, #tpu.memory_space<hbm>> -> memref<128x256xf32, #tpu.memory_space<hbm>>
    %dma_wait3A_594 = arith.constant 0 : i32
    %dma_wait3A_595 = arith.constant 0 : i32
    %dma_wait3A_596 = tpu.memref_slice %arg5[%dma_wait3A_581, %dma_wait3A_594, %dma_wait3A_595] : memref<2x128x256xf32, #tpu.memory_space<vmem>> -> memref<1x128x256xf32, #tpu.memory_space<vmem>>
    %dma_wait3A_597 = tpu.memref_squeeze %dma_wait3A_596 : memref<1x128x256xf32, #tpu.memory_space<vmem>> -> memref<128x256xf32, #tpu.memory_space<vmem>>
    tpu.wait_dma2 semaphore(%arg8 : memref<!tpu.dma_semaphore, #tpu.memory_space<semaphore_mem>>) src(%dma_wait3A_597 : memref<128x256xf32, #tpu.memory_space<vmem>>) dst(%dma_wait3A_593 : memref<128x256xf32, #tpu.memory_space<hbm>>)
    %dma_start3A_598 = arith.constant 1 : i32
    %dma_start3A_599 = arith.constant 0 : i32
    %dma_start3A_600 = arith.constant 0 : i32
    %dma_start3A_601 = tpu.memref_slice %arg5[%dma_start3A_598, %dma_start3A_599, %dma_start3A_600] : memref<2x128x256xf32, #tpu.memory_space<vmem>> -> memref<1x128x256xf32, #tpu.memory_space<vmem>>
    %dma_start3A_602 = tpu.memref_squeeze %dma_start3A_601 : memref<1x128x256xf32, #tpu.memory_space<vmem>> -> memref<128x256xf32, #tpu.memory_space<vmem>>
    %dma_start3A_603 = arith.constant 1152 : i32
    %dma_start3A_604 = arith.constant 0 : i32
    %dma_start3A_605 = tpu.memref_slice %arg2[%dma_start3A_603, %dma_start3A_604] : memref<2048x256xf32, #tpu.memory_space<hbm>> -> memref<128x256xf32, #tpu.memory_space<hbm>>
    %dma_start3A_606 = arith.constant 0 : i32
    %dma_start3A_607 = arith.constant 0 : i32
    %dma_start3A_608 = tpu.memref_slice %arg5[%dma_start3A_598, %dma_start3A_606, %dma_start3A_607] : memref<2x128x256xf32, #tpu.memory_space<vmem>> -> memref<1x128x256xf32, #tpu.memory_space<vmem>>
    %dma_start3A_609 = tpu.memref_squeeze %dma_start3A_608 : memref<1x128x256xf32, #tpu.memory_space<vmem>> -> memref<128x256xf32, #tpu.memory_space<vmem>>
    %dma_start3A_610 = arith.constant 1152 : i32
    %dma_start3A_611 = arith.constant 0 : i32
    %dma_start3A_612 = tpu.memref_slice %arg2[%dma_start3A_610, %dma_start3A_611] : memref<2048x256xf32, #tpu.memory_space<hbm>> -> memref<128x256xf32, #tpu.memory_space<hbm>>
    tpu.enqueue_dma source(%dma_start3A_612 : memref<128x256xf32, #tpu.memory_space<hbm>>) target(%dma_start3A_609 : memref<128x256xf32, #tpu.memory_space<vmem>>) target_semaphore(%arg7 : memref<!tpu.dma_semaphore, #tpu.memory_space<semaphore_mem>>)
    %dma_wait3A_613 = arith.constant 1 : i32
    %dma_wait3A_614 = arith.constant 0 : i32
    %dma_wait3A_615 = arith.constant 0 : i32
    %dma_wait3A_616 = tpu.memref_slice %arg5[%dma_wait3A_613, %dma_wait3A_614, %dma_wait3A_615] : memref<2x128x256xf32, #tpu.memory_space<vmem>> -> memref<1x128x256xf32, #tpu.memory_space<vmem>>
    %dma_wait3A_617 = tpu.memref_squeeze %dma_wait3A_616 : memref<1x128x256xf32, #tpu.memory_space<vmem>> -> memref<128x256xf32, #tpu.memory_space<vmem>>
    %dma_wait3A_618 = arith.constant 1152 : i32
    %dma_wait3A_619 = arith.constant 0 : i32
    %dma_wait3A_620 = tpu.memref_slice %arg2[%dma_wait3A_618, %dma_wait3A_619] : memref<2048x256xf32, #tpu.memory_space<hbm>> -> memref<128x256xf32, #tpu.memory_space<hbm>>
    %dma_wait3A_621 = arith.constant 0 : i32
    %dma_wait3A_622 = arith.constant 0 : i32
    %dma_wait3A_623 = tpu.memref_slice %arg5[%dma_wait3A_613, %dma_wait3A_621, %dma_wait3A_622] : memref<2x128x256xf32, #tpu.memory_space<vmem>> -> memref<1x128x256xf32, #tpu.memory_space<vmem>>
    %dma_wait3A_624 = tpu.memref_squeeze %dma_wait3A_623 : memref<1x128x256xf32, #tpu.memory_space<vmem>> -> memref<128x256xf32, #tpu.memory_space<vmem>>
    %dma_wait3A_625 = arith.constant 1152 : i32
    %dma_wait3A_626 = arith.constant 0 : i32
    %dma_wait3A_627 = tpu.memref_slice %arg2[%dma_wait3A_625, %dma_wait3A_626] : memref<2048x256xf32, #tpu.memory_space<hbm>> -> memref<128x256xf32, #tpu.memory_space<hbm>>
    tpu.wait_dma2 semaphore(%arg7 : memref<!tpu.dma_semaphore, #tpu.memory_space<semaphore_mem>>) src(%dma_wait3A_627 : memref<128x256xf32, #tpu.memory_space<hbm>>) dst(%dma_wait3A_624 : memref<128x256xf32, #tpu.memory_space<vmem>>)
    %dma_start3A_628 = arith.constant 1 : i32
    %dma_start3A_629 = arith.constant 0 : i32
    %dma_start3A_630 = arith.constant 0 : i32
    %dma_start3A_631 = tpu.memref_slice %arg5[%dma_start3A_628, %dma_start3A_629, %dma_start3A_630] : memref<2x128x256xf32, #tpu.memory_space<vmem>> -> memref<1x128x256xf32, #tpu.memory_space<vmem>>
    %dma_start3A_632 = tpu.memref_squeeze %dma_start3A_631 : memref<1x128x256xf32, #tpu.memory_space<vmem>> -> memref<128x256xf32, #tpu.memory_space<vmem>>
    %dma_start3A_633 = arith.constant 1152 : i32
    %dma_start3A_634 = arith.constant 0 : i32
    %dma_start3A_635 = tpu.memref_slice %arg3[%add3A_27, %dma_start3A_633, %dma_start3A_634] : memref<64x2048x256xf32, #tpu.memory_space<hbm>> -> memref<1x128x256xf32, #tpu.memory_space<hbm>>
    %dma_start3A_636 = tpu.memref_squeeze %dma_start3A_635 : memref<1x128x256xf32, #tpu.memory_space<hbm>> -> memref<128x256xf32, #tpu.memory_space<hbm>>
    %dma_start3A_637 = arith.constant 1152 : i32
    %dma_start3A_638 = arith.constant 0 : i32
    %dma_start3A_639 = tpu.memref_slice %arg3[%add3A_27, %dma_start3A_637, %dma_start3A_638] : memref<64x2048x256xf32, #tpu.memory_space<hbm>> -> memref<1x128x256xf32, #tpu.memory_space<hbm>>
    %dma_start3A_640 = tpu.memref_squeeze %dma_start3A_639 : memref<1x128x256xf32, #tpu.memory_space<hbm>> -> memref<128x256xf32, #tpu.memory_space<hbm>>
    %dma_start3A_641 = arith.constant 0 : i32
    %dma_start3A_642 = arith.constant 0 : i32
    %dma_start3A_643 = tpu.memref_slice %arg5[%dma_start3A_628, %dma_start3A_641, %dma_start3A_642] : memref<2x128x256xf32, #tpu.memory_space<vmem>> -> memref<1x128x256xf32, #tpu.memory_space<vmem>>
    %dma_start3A_644 = tpu.memref_squeeze %dma_start3A_643 : memref<1x128x256xf32, #tpu.memory_space<vmem>> -> memref<128x256xf32, #tpu.memory_space<vmem>>
    tpu.enqueue_dma source(%dma_start3A_644 : memref<128x256xf32, #tpu.memory_space<vmem>>) target(%dma_start3A_640 : memref<128x256xf32, #tpu.memory_space<hbm>>) target_semaphore(%arg8 : memref<!tpu.dma_semaphore, #tpu.memory_space<semaphore_mem>>)
    %dma_wait3A_645 = arith.constant 0 : i32
    %dma_wait3A_646 = arith.constant 0 : i32
    %dma_wait3A_647 = arith.constant 0 : i32
    %dma_wait3A_648 = tpu.memref_slice %arg5[%dma_wait3A_645, %dma_wait3A_646, %dma_wait3A_647] : memref<2x128x256xf32, #tpu.memory_space<vmem>> -> memref<1x128x256xf32, #tpu.memory_space<vmem>>
    %dma_wait3A_649 = tpu.memref_squeeze %dma_wait3A_648 : memref<1x128x256xf32, #tpu.memory_space<vmem>> -> memref<128x256xf32, #tpu.memory_space<vmem>>
    %dma_wait3A_650 = arith.constant 1024 : i32
    %dma_wait3A_651 = arith.constant 0 : i32
    %dma_wait3A_652 = tpu.memref_slice %arg3[%add3A_25, %dma_wait3A_650, %dma_wait3A_651] : memref<64x2048x256xf32, #tpu.memory_space<hbm>> -> memref<1x128x256xf32, #tpu.memory_space<hbm>>
    %dma_wait3A_653 = tpu.memref_squeeze %dma_wait3A_652 : memref<1x128x256xf32, #tpu.memory_space<hbm>> -> memref<128x256xf32, #tpu.memory_space<hbm>>
    %dma_wait3A_654 = arith.constant 1024 : i32
    %dma_wait3A_655 = arith.constant 0 : i32
    %dma_wait3A_656 = tpu.memref_slice %arg3[%add3A_25, %dma_wait3A_654, %dma_wait3A_655] : memref<64x2048x256xf32, #tpu.memory_space<hbm>> -> memref<1x128x256xf32, #tpu.memory_space<hbm>>
    %dma_wait3A_657 = tpu.memref_squeeze %dma_wait3A_656 : memref<1x128x256xf32, #tpu.memory_space<hbm>> -> memref<128x256xf32, #tpu.memory_space<hbm>>
    %dma_wait3A_658 = arith.constant 0 : i32
    %dma_wait3A_659 = arith.constant 0 : i32
    %dma_wait3A_660 = tpu.memref_slice %arg5[%dma_wait3A_645, %dma_wait3A_658, %dma_wait3A_659] : memref<2x128x256xf32, #tpu.memory_space<vmem>> -> memref<1x128x256xf32, #tpu.memory_space<vmem>>
    %dma_wait3A_661 = tpu.memref_squeeze %dma_wait3A_660 : memref<1x128x256xf32, #tpu.memory_space<vmem>> -> memref<128x256xf32, #tpu.memory_space<vmem>>
    tpu.wait_dma2 semaphore(%arg8 : memref<!tpu.dma_semaphore, #tpu.memory_space<semaphore_mem>>) src(%dma_wait3A_661 : memref<128x256xf32, #tpu.memory_space<vmem>>) dst(%dma_wait3A_657 : memref<128x256xf32, #tpu.memory_space<hbm>>)
    %dma_start3A_662 = arith.constant 0 : i32
    %dma_start3A_663 = arith.constant 0 : i32
    %dma_start3A_664 = arith.constant 0 : i32
    %dma_start3A_665 = tpu.memref_slice %arg5[%dma_start3A_662, %dma_start3A_663, %dma_start3A_664] : memref<2x128x256xf32, #tpu.memory_space<vmem>> -> memref<1x128x256xf32, #tpu.memory_space<vmem>>
    %dma_start3A_666 = tpu.memref_squeeze %dma_start3A_665 : memref<1x128x256xf32, #tpu.memory_space<vmem>> -> memref<128x256xf32, #tpu.memory_space<vmem>>
    %dma_start3A_667 = arith.constant 1280 : i32
    %dma_start3A_668 = arith.constant 0 : i32
    %dma_start3A_669 = tpu.memref_slice %arg2[%dma_start3A_667, %dma_start3A_668] : memref<2048x256xf32, #tpu.memory_space<hbm>> -> memref<128x256xf32, #tpu.memory_space<hbm>>
    %dma_start3A_670 = arith.constant 0 : i32
    %dma_start3A_671 = arith.constant 0 : i32
    %dma_start3A_672 = tpu.memref_slice %arg5[%dma_start3A_662, %dma_start3A_670, %dma_start3A_671] : memref<2x128x256xf32, #tpu.memory_space<vmem>> -> memref<1x128x256xf32, #tpu.memory_space<vmem>>
    %dma_start3A_673 = tpu.memref_squeeze %dma_start3A_672 : memref<1x128x256xf32, #tpu.memory_space<vmem>> -> memref<128x256xf32, #tpu.memory_space<vmem>>
    %dma_start3A_674 = arith.constant 1280 : i32
    %dma_start3A_675 = arith.constant 0 : i32
    %dma_start3A_676 = tpu.memref_slice %arg2[%dma_start3A_674, %dma_start3A_675] : memref<2048x256xf32, #tpu.memory_space<hbm>> -> memref<128x256xf32, #tpu.memory_space<hbm>>
    tpu.enqueue_dma source(%dma_start3A_676 : memref<128x256xf32, #tpu.memory_space<hbm>>) target(%dma_start3A_673 : memref<128x256xf32, #tpu.memory_space<vmem>>) target_semaphore(%arg7 : memref<!tpu.dma_semaphore, #tpu.memory_space<semaphore_mem>>)
    %dma_wait3A_677 = arith.constant 0 : i32
    %dma_wait3A_678 = arith.constant 0 : i32
    %dma_wait3A_679 = arith.constant 0 : i32
    %dma_wait3A_680 = tpu.memref_slice %arg5[%dma_wait3A_677, %dma_wait3A_678, %dma_wait3A_679] : memref<2x128x256xf32, #tpu.memory_space<vmem>> -> memref<1x128x256xf32, #tpu.memory_space<vmem>>
    %dma_wait3A_681 = tpu.memref_squeeze %dma_wait3A_680 : memref<1x128x256xf32, #tpu.memory_space<vmem>> -> memref<128x256xf32, #tpu.memory_space<vmem>>
    %dma_wait3A_682 = arith.constant 1280 : i32
    %dma_wait3A_683 = arith.constant 0 : i32
    %dma_wait3A_684 = tpu.memref_slice %arg2[%dma_wait3A_682, %dma_wait3A_683] : memref<2048x256xf32, #tpu.memory_space<hbm>> -> memref<128x256xf32, #tpu.memory_space<hbm>>
    %dma_wait3A_685 = arith.constant 0 : i32
    %dma_wait3A_686 = arith.constant 0 : i32
    %dma_wait3A_687 = tpu.memref_slice %arg5[%dma_wait3A_677, %dma_wait3A_685, %dma_wait3A_686] : memref<2x128x256xf32, #tpu.memory_space<vmem>> -> memref<1x128x256xf32, #tpu.memory_space<vmem>>
    %dma_wait3A_688 = tpu.memref_squeeze %dma_wait3A_687 : memref<1x128x256xf32, #tpu.memory_space<vmem>> -> memref<128x256xf32, #tpu.memory_space<vmem>>
    %dma_wait3A_689 = arith.constant 1280 : i32
    %dma_wait3A_690 = arith.constant 0 : i32
    %dma_wait3A_691 = tpu.memref_slice %arg2[%dma_wait3A_689, %dma_wait3A_690] : memref<2048x256xf32, #tpu.memory_space<hbm>> -> memref<128x256xf32, #tpu.memory_space<hbm>>
    tpu.wait_dma2 semaphore(%arg7 : memref<!tpu.dma_semaphore, #tpu.memory_space<semaphore_mem>>) src(%dma_wait3A_691 : memref<128x256xf32, #tpu.memory_space<hbm>>) dst(%dma_wait3A_688 : memref<128x256xf32, #tpu.memory_space<vmem>>)
    %dma_start3A_692 = arith.constant 0 : i32
    %dma_start3A_693 = arith.constant 0 : i32
    %dma_start3A_694 = arith.constant 0 : i32
    %dma_start3A_695 = tpu.memref_slice %arg5[%dma_start3A_692, %dma_start3A_693, %dma_start3A_694] : memref<2x128x256xf32, #tpu.memory_space<vmem>> -> memref<1x128x256xf32, #tpu.memory_space<vmem>>
    %dma_start3A_696 = tpu.memref_squeeze %dma_start3A_695 : memref<1x128x256xf32, #tpu.memory_space<vmem>> -> memref<128x256xf32, #tpu.memory_space<vmem>>
    %dma_start3A_697 = arith.constant 1280 : i32
    %dma_start3A_698 = arith.constant 0 : i32
    %dma_start3A_699 = tpu.memref_slice %arg3[%add3A_29, %dma_start3A_697, %dma_start3A_698] : memref<64x2048x256xf32, #tpu.memory_space<hbm>> -> memref<1x128x256xf32, #tpu.memory_space<hbm>>
    %dma_start3A_700 = tpu.memref_squeeze %dma_start3A_699 : memref<1x128x256xf32, #tpu.memory_space<hbm>> -> memref<128x256xf32, #tpu.memory_space<hbm>>
    %dma_start3A_701 = arith.constant 1280 : i32
    %dma_start3A_702 = arith.constant 0 : i32
    %dma_start3A_703 = tpu.memref_slice %arg3[%add3A_29, %dma_start3A_701, %dma_start3A_702] : memref<64x2048x256xf32, #tpu.memory_space<hbm>> -> memref<1x128x256xf32, #tpu.memory_space<hbm>>
    %dma_start3A_704 = tpu.memref_squeeze %dma_start3A_703 : memref<1x128x256xf32, #tpu.memory_space<hbm>> -> memref<128x256xf32, #tpu.memory_space<hbm>>
    %dma_start3A_705 = arith.constant 0 : i32
    %dma_start3A_706 = arith.constant 0 : i32
    %dma_start3A_707 = tpu.memref_slice %arg5[%dma_start3A_692, %dma_start3A_705, %dma_start3A_706] : memref<2x128x256xf32, #tpu.memory_space<vmem>> -> memref<1x128x256xf32, #tpu.memory_space<vmem>>
    %dma_start3A_708 = tpu.memref_squeeze %dma_start3A_707 : memref<1x128x256xf32, #tpu.memory_space<vmem>> -> memref<128x256xf32, #tpu.memory_space<vmem>>
    tpu.enqueue_dma source(%dma_start3A_708 : memref<128x256xf32, #tpu.memory_space<vmem>>) target(%dma_start3A_704 : memref<128x256xf32, #tpu.memory_space<hbm>>) target_semaphore(%arg8 : memref<!tpu.dma_semaphore, #tpu.memory_space<semaphore_mem>>)
    %dma_wait3A_709 = arith.constant 1 : i32
    %dma_wait3A_710 = arith.constant 0 : i32
    %dma_wait3A_711 = arith.constant 0 : i32
    %dma_wait3A_712 = tpu.memref_slice %arg5[%dma_wait3A_709, %dma_wait3A_710, %dma_wait3A_711] : memref<2x128x256xf32, #tpu.memory_space<vmem>> -> memref<1x128x256xf32, #tpu.memory_space<vmem>>
    %dma_wait3A_713 = tpu.memref_squeeze %dma_wait3A_712 : memref<1x128x256xf32, #tpu.memory_space<vmem>> -> memref<128x256xf32, #tpu.memory_space<vmem>>
    %dma_wait3A_714 = arith.constant 1152 : i32
    %dma_wait3A_715 = arith.constant 0 : i32
    %dma_wait3A_716 = tpu.memref_slice %arg3[%add3A_27, %dma_wait3A_714, %dma_wait3A_715] : memref<64x2048x256xf32, #tpu.memory_space<hbm>> -> memref<1x128x256xf32, #tpu.memory_space<hbm>>
    %dma_wait3A_717 = tpu.memref_squeeze %dma_wait3A_716 : memref<1x128x256xf32, #tpu.memory_space<hbm>> -> memref<128x256xf32, #tpu.memory_space<hbm>>
    %dma_wait3A_718 = arith.constant 1152 : i32
    %dma_wait3A_719 = arith.constant 0 : i32
    %dma_wait3A_720 = tpu.memref_slice %arg3[%add3A_27, %dma_wait3A_718, %dma_wait3A_719] : memref<64x2048x256xf32, #tpu.memory_space<hbm>> -> memref<1x128x256xf32, #tpu.memory_space<hbm>>
    %dma_wait3A_721 = tpu.memref_squeeze %dma_wait3A_720 : memref<1x128x256xf32, #tpu.memory_space<hbm>> -> memref<128x256xf32, #tpu.memory_space<hbm>>
    %dma_wait3A_722 = arith.constant 0 : i32
    %dma_wait3A_723 = arith.constant 0 : i32
    %dma_wait3A_724 = tpu.memref_slice %arg5[%dma_wait3A_709, %dma_wait3A_722, %dma_wait3A_723] : memref<2x128x256xf32, #tpu.memory_space<vmem>> -> memref<1x128x256xf32, #tpu.memory_space<vmem>>
    %dma_wait3A_725 = tpu.memref_squeeze %dma_wait3A_724 : memref<1x128x256xf32, #tpu.memory_space<vmem>> -> memref<128x256xf32, #tpu.memory_space<vmem>>
    tpu.wait_dma2 semaphore(%arg8 : memref<!tpu.dma_semaphore, #tpu.memory_space<semaphore_mem>>) src(%dma_wait3A_725 : memref<128x256xf32, #tpu.memory_space<vmem>>) dst(%dma_wait3A_721 : memref<128x256xf32, #tpu.memory_space<hbm>>)
    %dma_start3A_726 = arith.constant 1 : i32
    %dma_start3A_727 = arith.constant 0 : i32
    %dma_start3A_728 = arith.constant 0 : i32
    %dma_start3A_729 = tpu.memref_slice %arg5[%dma_start3A_726, %dma_start3A_727, %dma_start3A_728] : memref<2x128x256xf32, #tpu.memory_space<vmem>> -> memref<1x128x256xf32, #tpu.memory_space<vmem>>
    %dma_start3A_730 = tpu.memref_squeeze %dma_start3A_729 : memref<1x128x256xf32, #tpu.memory_space<vmem>> -> memref<128x256xf32, #tpu.memory_space<vmem>>
    %dma_start3A_731 = arith.constant 1408 : i32
    %dma_start3A_732 = arith.constant 0 : i32
    %dma_start3A_733 = tpu.memref_slice %arg2[%dma_start3A_731, %dma_start3A_732] : memref<2048x256xf32, #tpu.memory_space<hbm>> -> memref<128x256xf32, #tpu.memory_space<hbm>>
    %dma_start3A_734 = arith.constant 0 : i32
    %dma_start3A_735 = arith.constant 0 : i32
    %dma_start3A_736 = tpu.memref_slice %arg5[%dma_start3A_726, %dma_start3A_734, %dma_start3A_735] : memref<2x128x256xf32, #tpu.memory_space<vmem>> -> memref<1x128x256xf32, #tpu.memory_space<vmem>>
    %dma_start3A_737 = tpu.memref_squeeze %dma_start3A_736 : memref<1x128x256xf32, #tpu.memory_space<vmem>> -> memref<128x256xf32, #tpu.memory_space<vmem>>
    %dma_start3A_738 = arith.constant 1408 : i32
    %dma_start3A_739 = arith.constant 0 : i32
    %dma_start3A_740 = tpu.memref_slice %arg2[%dma_start3A_738, %dma_start3A_739] : memref<2048x256xf32, #tpu.memory_space<hbm>> -> memref<128x256xf32, #tpu.memory_space<hbm>>
    tpu.enqueue_dma source(%dma_start3A_740 : memref<128x256xf32, #tpu.memory_space<hbm>>) target(%dma_start3A_737 : memref<128x256xf32, #tpu.memory_space<vmem>>) target_semaphore(%arg7 : memref<!tpu.dma_semaphore, #tpu.memory_space<semaphore_mem>>)
    %dma_wait3A_741 = arith.constant 1 : i32
    %dma_wait3A_742 = arith.constant 0 : i32
    %dma_wait3A_743 = arith.constant 0 : i32
    %dma_wait3A_744 = tpu.memref_slice %arg5[%dma_wait3A_741, %dma_wait3A_742, %dma_wait3A_743] : memref<2x128x256xf32, #tpu.memory_space<vmem>> -> memref<1x128x256xf32, #tpu.memory_space<vmem>>
    %dma_wait3A_745 = tpu.memref_squeeze %dma_wait3A_744 : memref<1x128x256xf32, #tpu.memory_space<vmem>> -> memref<128x256xf32, #tpu.memory_space<vmem>>
    %dma_wait3A_746 = arith.constant 1408 : i32
    %dma_wait3A_747 = arith.constant 0 : i32
    %dma_wait3A_748 = tpu.memref_slice %arg2[%dma_wait3A_746, %dma_wait3A_747] : memref<2048x256xf32, #tpu.memory_space<hbm>> -> memref<128x256xf32, #tpu.memory_space<hbm>>
    %dma_wait3A_749 = arith.constant 0 : i32
    %dma_wait3A_750 = arith.constant 0 : i32
    %dma_wait3A_751 = tpu.memref_slice %arg5[%dma_wait3A_741, %dma_wait3A_749, %dma_wait3A_750] : memref<2x128x256xf32, #tpu.memory_space<vmem>> -> memref<1x128x256xf32, #tpu.memory_space<vmem>>
    %dma_wait3A_752 = tpu.memref_squeeze %dma_wait3A_751 : memref<1x128x256xf32, #tpu.memory_space<vmem>> -> memref<128x256xf32, #tpu.memory_space<vmem>>
    %dma_wait3A_753 = arith.constant 1408 : i32
    %dma_wait3A_754 = arith.constant 0 : i32
    %dma_wait3A_755 = tpu.memref_slice %arg2[%dma_wait3A_753, %dma_wait3A_754] : memref<2048x256xf32, #tpu.memory_space<hbm>> -> memref<128x256xf32, #tpu.memory_space<hbm>>
    tpu.wait_dma2 semaphore(%arg7 : memref<!tpu.dma_semaphore, #tpu.memory_space<semaphore_mem>>) src(%dma_wait3A_755 : memref<128x256xf32, #tpu.memory_space<hbm>>) dst(%dma_wait3A_752 : memref<128x256xf32, #tpu.memory_space<vmem>>)
    %dma_start3A_756 = arith.constant 1 : i32
    %dma_start3A_757 = arith.constant 0 : i32
    %dma_start3A_758 = arith.constant 0 : i32
    %dma_start3A_759 = tpu.memref_slice %arg5[%dma_start3A_756, %dma_start3A_757, %dma_start3A_758] : memref<2x128x256xf32, #tpu.memory_space<vmem>> -> memref<1x128x256xf32, #tpu.memory_space<vmem>>
    %dma_start3A_760 = tpu.memref_squeeze %dma_start3A_759 : memref<1x128x256xf32, #tpu.memory_space<vmem>> -> memref<128x256xf32, #tpu.memory_space<vmem>>
    %dma_start3A_761 = arith.constant 1408 : i32
    %dma_start3A_762 = arith.constant 0 : i32
    %dma_start3A_763 = tpu.memref_slice %arg3[%add3A_31, %dma_start3A_761, %dma_start3A_762] : memref<64x2048x256xf32, #tpu.memory_space<hbm>> -> memref<1x128x256xf32, #tpu.memory_space<hbm>>
    %dma_start3A_764 = tpu.memref_squeeze %dma_start3A_763 : memref<1x128x256xf32, #tpu.memory_space<hbm>> -> memref<128x256xf32, #tpu.memory_space<hbm>>
    %dma_start3A_765 = arith.constant 1408 : i32
    %dma_start3A_766 = arith.constant 0 : i32
    %dma_start3A_767 = tpu.memref_slice %arg3[%add3A_31, %dma_start3A_765, %dma_start3A_766] : memref<64x2048x256xf32, #tpu.memory_space<hbm>> -> memref<1x128x256xf32, #tpu.memory_space<hbm>>
    %dma_start3A_768 = tpu.memref_squeeze %dma_start3A_767 : memref<1x128x256xf32, #tpu.memory_space<hbm>> -> memref<128x256xf32, #tpu.memory_space<hbm>>
    %dma_start3A_769 = arith.constant 0 : i32
    %dma_start3A_770 = arith.constant 0 : i32
    %dma_start3A_771 = tpu.memref_slice %arg5[%dma_start3A_756, %dma_start3A_769, %dma_start3A_770] : memref<2x128x256xf32, #tpu.memory_space<vmem>> -> memref<1x128x256xf32, #tpu.memory_space<vmem>>
    %dma_start3A_772 = tpu.memref_squeeze %dma_start3A_771 : memref<1x128x256xf32, #tpu.memory_space<vmem>> -> memref<128x256xf32, #tpu.memory_space<vmem>>
    tpu.enqueue_dma source(%dma_start3A_772 : memref<128x256xf32, #tpu.memory_space<vmem>>) target(%dma_start3A_768 : memref<128x256xf32, #tpu.memory_space<hbm>>) target_semaphore(%arg8 : memref<!tpu.dma_semaphore, #tpu.memory_space<semaphore_mem>>)
    %dma_wait3A_773 = arith.constant 0 : i32
    %dma_wait3A_774 = arith.constant 0 : i32
    %dma_wait3A_775 = arith.constant 0 : i32
    %dma_wait3A_776 = tpu.memref_slice %arg5[%dma_wait3A_773, %dma_wait3A_774, %dma_wait3A_775] : memref<2x128x256xf32, #tpu.memory_space<vmem>> -> memref<1x128x256xf32, #tpu.memory_space<vmem>>
    %dma_wait3A_777 = tpu.memref_squeeze %dma_wait3A_776 : memref<1x128x256xf32, #tpu.memory_space<vmem>> -> memref<128x256xf32, #tpu.memory_space<vmem>>
    %dma_wait3A_778 = arith.constant 1280 : i32
    %dma_wait3A_779 = arith.constant 0 : i32
    %dma_wait3A_780 = tpu.memref_slice %arg3[%add3A_29, %dma_wait3A_778, %dma_wait3A_779] : memref<64x2048x256xf32, #tpu.memory_space<hbm>> -> memref<1x128x256xf32, #tpu.memory_space<hbm>>
    %dma_wait3A_781 = tpu.memref_squeeze %dma_wait3A_780 : memref<1x128x256xf32, #tpu.memory_space<hbm>> -> memref<128x256xf32, #tpu.memory_space<hbm>>
    %dma_wait3A_782 = arith.constant 1280 : i32
    %dma_wait3A_783 = arith.constant 0 : i32
    %dma_wait3A_784 = tpu.memref_slice %arg3[%add3A_29, %dma_wait3A_782, %dma_wait3A_783] : memref<64x2048x256xf32, #tpu.memory_space<hbm>> -> memref<1x128x256xf32, #tpu.memory_space<hbm>>
    %dma_wait3A_785 = tpu.memref_squeeze %dma_wait3A_784 : memref<1x128x256xf32, #tpu.memory_space<hbm>> -> memref<128x256xf32, #tpu.memory_space<hbm>>
    %dma_wait3A_786 = arith.constant 0 : i32
    %dma_wait3A_787 = arith.constant 0 : i32
    %dma_wait3A_788 = tpu.memref_slice %arg5[%dma_wait3A_773, %dma_wait3A_786, %dma_wait3A_787] : memref<2x128x256xf32, #tpu.memory_space<vmem>> -> memref<1x128x256xf32, #tpu.memory_space<vmem>>
    %dma_wait3A_789 = tpu.memref_squeeze %dma_wait3A_788 : memref<1x128x256xf32, #tpu.memory_space<vmem>> -> memref<128x256xf32, #tpu.memory_space<vmem>>
    tpu.wait_dma2 semaphore(%arg8 : memref<!tpu.dma_semaphore, #tpu.memory_space<semaphore_mem>>) src(%dma_wait3A_789 : memref<128x256xf32, #tpu.memory_space<vmem>>) dst(%dma_wait3A_785 : memref<128x256xf32, #tpu.memory_space<hbm>>)
    %dma_start3A_790 = arith.constant 0 : i32
    %dma_start3A_791 = arith.constant 0 : i32
    %dma_start3A_792 = arith.constant 0 : i32
    %dma_start3A_793 = tpu.memref_slice %arg5[%dma_start3A_790, %dma_start3A_791, %dma_start3A_792] : memref<2x128x256xf32, #tpu.memory_space<vmem>> -> memref<1x128x256xf32, #tpu.memory_space<vmem>>
    %dma_start3A_794 = tpu.memref_squeeze %dma_start3A_793 : memref<1x128x256xf32, #tpu.memory_space<vmem>> -> memref<128x256xf32, #tpu.memory_space<vmem>>
    %dma_start3A_795 = arith.constant 1536 : i32
    %dma_start3A_796 = arith.constant 0 : i32
    %dma_start3A_797 = tpu.memref_slice %arg2[%dma_start3A_795, %dma_start3A_796] : memref<2048x256xf32, #tpu.memory_space<hbm>> -> memref<128x256xf32, #tpu.memory_space<hbm>>
    %dma_start3A_798 = arith.constant 0 : i32
    %dma_start3A_799 = arith.constant 0 : i32
    %dma_start3A_800 = tpu.memref_slice %arg5[%dma_start3A_790, %dma_start3A_798, %dma_start3A_799] : memref<2x128x256xf32, #tpu.memory_space<vmem>> -> memref<1x128x256xf32, #tpu.memory_space<vmem>>
    %dma_start3A_801 = tpu.memref_squeeze %dma_start3A_800 : memref<1x128x256xf32, #tpu.memory_space<vmem>> -> memref<128x256xf32, #tpu.memory_space<vmem>>
    %dma_start3A_802 = arith.constant 1536 : i32
    %dma_start3A_803 = arith.constant 0 : i32
    %dma_start3A_804 = tpu.memref_slice %arg2[%dma_start3A_802, %dma_start3A_803] : memref<2048x256xf32, #tpu.memory_space<hbm>> -> memref<128x256xf32, #tpu.memory_space<hbm>>
    tpu.enqueue_dma source(%dma_start3A_804 : memref<128x256xf32, #tpu.memory_space<hbm>>) target(%dma_start3A_801 : memref<128x256xf32, #tpu.memory_space<vmem>>) target_semaphore(%arg7 : memref<!tpu.dma_semaphore, #tpu.memory_space<semaphore_mem>>)
    %dma_wait3A_805 = arith.constant 0 : i32
    %dma_wait3A_806 = arith.constant 0 : i32
    %dma_wait3A_807 = arith.constant 0 : i32
    %dma_wait3A_808 = tpu.memref_slice %arg5[%dma_wait3A_805, %dma_wait3A_806, %dma_wait3A_807] : memref<2x128x256xf32, #tpu.memory_space<vmem>> -> memref<1x128x256xf32, #tpu.memory_space<vmem>>
    %dma_wait3A_809 = tpu.memref_squeeze %dma_wait3A_808 : memref<1x128x256xf32, #tpu.memory_space<vmem>> -> memref<128x256xf32, #tpu.memory_space<vmem>>
    %dma_wait3A_810 = arith.constant 1536 : i32
    %dma_wait3A_811 = arith.constant 0 : i32
    %dma_wait3A_812 = tpu.memref_slice %arg2[%dma_wait3A_810, %dma_wait3A_811] : memref<2048x256xf32, #tpu.memory_space<hbm>> -> memref<128x256xf32, #tpu.memory_space<hbm>>
    %dma_wait3A_813 = arith.constant 0 : i32
    %dma_wait3A_814 = arith.constant 0 : i32
    %dma_wait3A_815 = tpu.memref_slice %arg5[%dma_wait3A_805, %dma_wait3A_813, %dma_wait3A_814] : memref<2x128x256xf32, #tpu.memory_space<vmem>> -> memref<1x128x256xf32, #tpu.memory_space<vmem>>
    %dma_wait3A_816 = tpu.memref_squeeze %dma_wait3A_815 : memref<1x128x256xf32, #tpu.memory_space<vmem>> -> memref<128x256xf32, #tpu.memory_space<vmem>>
    %dma_wait3A_817 = arith.constant 1536 : i32
    %dma_wait3A_818 = arith.constant 0 : i32
    %dma_wait3A_819 = tpu.memref_slice %arg2[%dma_wait3A_817, %dma_wait3A_818] : memref<2048x256xf32, #tpu.memory_space<hbm>> -> memref<128x256xf32, #tpu.memory_space<hbm>>
    tpu.wait_dma2 semaphore(%arg7 : memref<!tpu.dma_semaphore, #tpu.memory_space<semaphore_mem>>) src(%dma_wait3A_819 : memref<128x256xf32, #tpu.memory_space<hbm>>) dst(%dma_wait3A_816 : memref<128x256xf32, #tpu.memory_space<vmem>>)
    %dma_start3A_820 = arith.constant 0 : i32
    %dma_start3A_821 = arith.constant 0 : i32
    %dma_start3A_822 = arith.constant 0 : i32
    %dma_start3A_823 = tpu.memref_slice %arg5[%dma_start3A_820, %dma_start3A_821, %dma_start3A_822] : memref<2x128x256xf32, #tpu.memory_space<vmem>> -> memref<1x128x256xf32, #tpu.memory_space<vmem>>
    %dma_start3A_824 = tpu.memref_squeeze %dma_start3A_823 : memref<1x128x256xf32, #tpu.memory_space<vmem>> -> memref<128x256xf32, #tpu.memory_space<vmem>>
    %dma_start3A_825 = arith.constant 1536 : i32
    %dma_start3A_826 = arith.constant 0 : i32
    %dma_start3A_827 = tpu.memref_slice %arg3[%add3A_33, %dma_start3A_825, %dma_start3A_826] : memref<64x2048x256xf32, #tpu.memory_space<hbm>> -> memref<1x128x256xf32, #tpu.memory_space<hbm>>
    %dma_start3A_828 = tpu.memref_squeeze %dma_start3A_827 : memref<1x128x256xf32, #tpu.memory_space<hbm>> -> memref<128x256xf32, #tpu.memory_space<hbm>>
    %dma_start3A_829 = arith.constant 1536 : i32
    %dma_start3A_830 = arith.constant 0 : i32
    %dma_start3A_831 = tpu.memref_slice %arg3[%add3A_33, %dma_start3A_829, %dma_start3A_830] : memref<64x2048x256xf32, #tpu.memory_space<hbm>> -> memref<1x128x256xf32, #tpu.memory_space<hbm>>
    %dma_start3A_832 = tpu.memref_squeeze %dma_start3A_831 : memref<1x128x256xf32, #tpu.memory_space<hbm>> -> memref<128x256xf32, #tpu.memory_space<hbm>>
    %dma_start3A_833 = arith.constant 0 : i32
    %dma_start3A_834 = arith.constant 0 : i32
    %dma_start3A_835 = tpu.memref_slice %arg5[%dma_start3A_820, %dma_start3A_833, %dma_start3A_834] : memref<2x128x256xf32, #tpu.memory_space<vmem>> -> memref<1x128x256xf32, #tpu.memory_space<vmem>>
    %dma_start3A_836 = tpu.memref_squeeze %dma_start3A_835 : memref<1x128x256xf32, #tpu.memory_space<vmem>> -> memref<128x256xf32, #tpu.memory_space<vmem>>
    tpu.enqueue_dma source(%dma_start3A_836 : memref<128x256xf32, #tpu.memory_space<vmem>>) target(%dma_start3A_832 : memref<128x256xf32, #tpu.memory_space<hbm>>) target_semaphore(%arg8 : memref<!tpu.dma_semaphore, #tpu.memory_space<semaphore_mem>>)
    %dma_wait3A_837 = arith.constant 1 : i32
    %dma_wait3A_838 = arith.constant 0 : i32
    %dma_wait3A_839 = arith.constant 0 : i32
    %dma_wait3A_840 = tpu.memref_slice %arg5[%dma_wait3A_837, %dma_wait3A_838, %dma_wait3A_839] : memref<2x128x256xf32, #tpu.memory_space<vmem>> -> memref<1x128x256xf32, #tpu.memory_space<vmem>>
    %dma_wait3A_841 = tpu.memref_squeeze %dma_wait3A_840 : memref<1x128x256xf32, #tpu.memory_space<vmem>> -> memref<128x256xf32, #tpu.memory_space<vmem>>
    %dma_wait3A_842 = arith.constant 1408 : i32
    %dma_wait3A_843 = arith.constant 0 : i32
    %dma_wait3A_844 = tpu.memref_slice %arg3[%add3A_31, %dma_wait3A_842, %dma_wait3A_843] : memref<64x2048x256xf32, #tpu.memory_space<hbm>> -> memref<1x128x256xf32, #tpu.memory_space<hbm>>
    %dma_wait3A_845 = tpu.memref_squeeze %dma_wait3A_844 : memref<1x128x256xf32, #tpu.memory_space<hbm>> -> memref<128x256xf32, #tpu.memory_space<hbm>>
    %dma_wait3A_846 = arith.constant 1408 : i32
    %dma_wait3A_847 = arith.constant 0 : i32
    %dma_wait3A_848 = tpu.memref_slice %arg3[%add3A_31, %dma_wait3A_846, %dma_wait3A_847] : memref<64x2048x256xf32, #tpu.memory_space<hbm>> -> memref<1x128x256xf32, #tpu.memory_space<hbm>>
    %dma_wait3A_849 = tpu.memref_squeeze %dma_wait3A_848 : memref<1x128x256xf32, #tpu.memory_space<hbm>> -> memref<128x256xf32, #tpu.memory_space<hbm>>
    %dma_wait3A_850 = arith.constant 0 : i32
    %dma_wait3A_851 = arith.constant 0 : i32
    %dma_wait3A_852 = tpu.memref_slice %arg5[%dma_wait3A_837, %dma_wait3A_850, %dma_wait3A_851] : memref<2x128x256xf32, #tpu.memory_space<vmem>> -> memref<1x128x256xf32, #tpu.memory_space<vmem>>
    %dma_wait3A_853 = tpu.memref_squeeze %dma_wait3A_852 : memref<1x128x256xf32, #tpu.memory_space<vmem>> -> memref<128x256xf32, #tpu.memory_space<vmem>>
    tpu.wait_dma2 semaphore(%arg8 : memref<!tpu.dma_semaphore, #tpu.memory_space<semaphore_mem>>) src(%dma_wait3A_853 : memref<128x256xf32, #tpu.memory_space<vmem>>) dst(%dma_wait3A_849 : memref<128x256xf32, #tpu.memory_space<hbm>>)
    %dma_start3A_854 = arith.constant 1 : i32
    %dma_start3A_855 = arith.constant 0 : i32
    %dma_start3A_856 = arith.constant 0 : i32
    %dma_start3A_857 = tpu.memref_slice %arg5[%dma_start3A_854, %dma_start3A_855, %dma_start3A_856] : memref<2x128x256xf32, #tpu.memory_space<vmem>> -> memref<1x128x256xf32, #tpu.memory_space<vmem>>
    %dma_start3A_858 = tpu.memref_squeeze %dma_start3A_857 : memref<1x128x256xf32, #tpu.memory_space<vmem>> -> memref<128x256xf32, #tpu.memory_space<vmem>>
    %dma_start3A_859 = arith.constant 1664 : i32
    %dma_start3A_860 = arith.constant 0 : i32
    %dma_start3A_861 = tpu.memref_slice %arg2[%dma_start3A_859, %dma_start3A_860] : memref<2048x256xf32, #tpu.memory_space<hbm>> -> memref<128x256xf32, #tpu.memory_space<hbm>>
    %dma_start3A_862 = arith.constant 0 : i32
    %dma_start3A_863 = arith.constant 0 : i32
    %dma_start3A_864 = tpu.memref_slice %arg5[%dma_start3A_854, %dma_start3A_862, %dma_start3A_863] : memref<2x128x256xf32, #tpu.memory_space<vmem>> -> memref<1x128x256xf32, #tpu.memory_space<vmem>>
    %dma_start3A_865 = tpu.memref_squeeze %dma_start3A_864 : memref<1x128x256xf32, #tpu.memory_space<vmem>> -> memref<128x256xf32, #tpu.memory_space<vmem>>
    %dma_start3A_866 = arith.constant 1664 : i32
    %dma_start3A_867 = arith.constant 0 : i32
    %dma_start3A_868 = tpu.memref_slice %arg2[%dma_start3A_866, %dma_start3A_867] : memref<2048x256xf32, #tpu.memory_space<hbm>> -> memref<128x256xf32, #tpu.memory_space<hbm>>
    tpu.enqueue_dma source(%dma_start3A_868 : memref<128x256xf32, #tpu.memory_space<hbm>>) target(%dma_start3A_865 : memref<128x256xf32, #tpu.memory_space<vmem>>) target_semaphore(%arg7 : memref<!tpu.dma_semaphore, #tpu.memory_space<semaphore_mem>>)
    %dma_wait3A_869 = arith.constant 1 : i32
    %dma_wait3A_870 = arith.constant 0 : i32
    %dma_wait3A_871 = arith.constant 0 : i32
    %dma_wait3A_872 = tpu.memref_slice %arg5[%dma_wait3A_869, %dma_wait3A_870, %dma_wait3A_871] : memref<2x128x256xf32, #tpu.memory_space<vmem>> -> memref<1x128x256xf32, #tpu.memory_space<vmem>>
    %dma_wait3A_873 = tpu.memref_squeeze %dma_wait3A_872 : memref<1x128x256xf32, #tpu.memory_space<vmem>> -> memref<128x256xf32, #tpu.memory_space<vmem>>
    %dma_wait3A_874 = arith.constant 1664 : i32
    %dma_wait3A_875 = arith.constant 0 : i32
    %dma_wait3A_876 = tpu.memref_slice %arg2[%dma_wait3A_874, %dma_wait3A_875] : memref<2048x256xf32, #tpu.memory_space<hbm>> -> memref<128x256xf32, #tpu.memory_space<hbm>>
    %dma_wait3A_877 = arith.constant 0 : i32
    %dma_wait3A_878 = arith.constant 0 : i32
    %dma_wait3A_879 = tpu.memref_slice %arg5[%dma_wait3A_869, %dma_wait3A_877, %dma_wait3A_878] : memref<2x128x256xf32, #tpu.memory_space<vmem>> -> memref<1x128x256xf32, #tpu.memory_space<vmem>>
    %dma_wait3A_880 = tpu.memref_squeeze %dma_wait3A_879 : memref<1x128x256xf32, #tpu.memory_space<vmem>> -> memref<128x256xf32, #tpu.memory_space<vmem>>
    %dma_wait3A_881 = arith.constant 1664 : i32
    %dma_wait3A_882 = arith.constant 0 : i32
    %dma_wait3A_883 = tpu.memref_slice %arg2[%dma_wait3A_881, %dma_wait3A_882] : memref<2048x256xf32, #tpu.memory_space<hbm>> -> memref<128x256xf32, #tpu.memory_space<hbm>>
    tpu.wait_dma2 semaphore(%arg7 : memref<!tpu.dma_semaphore, #tpu.memory_space<semaphore_mem>>) src(%dma_wait3A_883 : memref<128x256xf32, #tpu.memory_space<hbm>>) dst(%dma_wait3A_880 : memref<128x256xf32, #tpu.memory_space<vmem>>)
    %dma_start3A_884 = arith.constant 1 : i32
    %dma_start3A_885 = arith.constant 0 : i32
    %dma_start3A_886 = arith.constant 0 : i32
    %dma_start3A_887 = tpu.memref_slice %arg5[%dma_start3A_884, %dma_start3A_885, %dma_start3A_886] : memref<2x128x256xf32, #tpu.memory_space<vmem>> -> memref<1x128x256xf32, #tpu.memory_space<vmem>>
    %dma_start3A_888 = tpu.memref_squeeze %dma_start3A_887 : memref<1x128x256xf32, #tpu.memory_space<vmem>> -> memref<128x256xf32, #tpu.memory_space<vmem>>
    %dma_start3A_889 = arith.constant 1664 : i32
    %dma_start3A_890 = arith.constant 0 : i32
    %dma_start3A_891 = tpu.memref_slice %arg3[%add3A_35, %dma_start3A_889, %dma_start3A_890] : memref<64x2048x256xf32, #tpu.memory_space<hbm>> -> memref<1x128x256xf32, #tpu.memory_space<hbm>>
    %dma_start3A_892 = tpu.memref_squeeze %dma_start3A_891 : memref<1x128x256xf32, #tpu.memory_space<hbm>> -> memref<128x256xf32, #tpu.memory_space<hbm>>
    %dma_start3A_893 = arith.constant 1664 : i32
    %dma_start3A_894 = arith.constant 0 : i32
    %dma_start3A_895 = tpu.memref_slice %arg3[%add3A_35, %dma_start3A_893, %dma_start3A_894] : memref<64x2048x256xf32, #tpu.memory_space<hbm>> -> memref<1x128x256xf32, #tpu.memory_space<hbm>>
    %dma_start3A_896 = tpu.memref_squeeze %dma_start3A_895 : memref<1x128x256xf32, #tpu.memory_space<hbm>> -> memref<128x256xf32, #tpu.memory_space<hbm>>
    %dma_start3A_897 = arith.constant 0 : i32
    %dma_start3A_898 = arith.constant 0 : i32
    %dma_start3A_899 = tpu.memref_slice %arg5[%dma_start3A_884, %dma_start3A_897, %dma_start3A_898] : memref<2x128x256xf32, #tpu.memory_space<vmem>> -> memref<1x128x256xf32, #tpu.memory_space<vmem>>
    %dma_start3A_900 = tpu.memref_squeeze %dma_start3A_899 : memref<1x128x256xf32, #tpu.memory_space<vmem>> -> memref<128x256xf32, #tpu.memory_space<vmem>>
    tpu.enqueue_dma source(%dma_start3A_900 : memref<128x256xf32, #tpu.memory_space<vmem>>) target(%dma_start3A_896 : memref<128x256xf32, #tpu.memory_space<hbm>>) target_semaphore(%arg8 : memref<!tpu.dma_semaphore, #tpu.memory_space<semaphore_mem>>)
    %dma_wait3A_901 = arith.constant 0 : i32
    %dma_wait3A_902 = arith.constant 0 : i32
    %dma_wait3A_903 = arith.constant 0 : i32
    %dma_wait3A_904 = tpu.memref_slice %arg5[%dma_wait3A_901, %dma_wait3A_902, %dma_wait3A_903] : memref<2x128x256xf32, #tpu.memory_space<vmem>> -> memref<1x128x256xf32, #tpu.memory_space<vmem>>
    %dma_wait3A_905 = tpu.memref_squeeze %dma_wait3A_904 : memref<1x128x256xf32, #tpu.memory_space<vmem>> -> memref<128x256xf32, #tpu.memory_space<vmem>>
    %dma_wait3A_906 = arith.constant 1536 : i32
    %dma_wait3A_907 = arith.constant 0 : i32
    %dma_wait3A_908 = tpu.memref_slice %arg3[%add3A_33, %dma_wait3A_906, %dma_wait3A_907] : memref<64x2048x256xf32, #tpu.memory_space<hbm>> -> memref<1x128x256xf32, #tpu.memory_space<hbm>>
    %dma_wait3A_909 = tpu.memref_squeeze %dma_wait3A_908 : memref<1x128x256xf32, #tpu.memory_space<hbm>> -> memref<128x256xf32, #tpu.memory_space<hbm>>
    %dma_wait3A_910 = arith.constant 1536 : i32
    %dma_wait3A_911 = arith.constant 0 : i32
    %dma_wait3A_912 = tpu.memref_slice %arg3[%add3A_33, %dma_wait3A_910, %dma_wait3A_911] : memref<64x2048x256xf32, #tpu.memory_space<hbm>> -> memref<1x128x256xf32, #tpu.memory_space<hbm>>
    %dma_wait3A_913 = tpu.memref_squeeze %dma_wait3A_912 : memref<1x128x256xf32, #tpu.memory_space<hbm>> -> memref<128x256xf32, #tpu.memory_space<hbm>>
    %dma_wait3A_914 = arith.constant 0 : i32
    %dma_wait3A_915 = arith.constant 0 : i32
    %dma_wait3A_916 = tpu.memref_slice %arg5[%dma_wait3A_901, %dma_wait3A_914, %dma_wait3A_915] : memref<2x128x256xf32, #tpu.memory_space<vmem>> -> memref<1x128x256xf32, #tpu.memory_space<vmem>>
    %dma_wait3A_917 = tpu.memref_squeeze %dma_wait3A_916 : memref<1x128x256xf32, #tpu.memory_space<vmem>> -> memref<128x256xf32, #tpu.memory_space<vmem>>
    tpu.wait_dma2 semaphore(%arg8 : memref<!tpu.dma_semaphore, #tpu.memory_space<semaphore_mem>>) src(%dma_wait3A_917 : memref<128x256xf32, #tpu.memory_space<vmem>>) dst(%dma_wait3A_913 : memref<128x256xf32, #tpu.memory_space<hbm>>)
    %dma_start3A_918 = arith.constant 0 : i32
    %dma_start3A_919 = arith.constant 0 : i32
    %dma_start3A_920 = arith.constant 0 : i32
    %dma_start3A_921 = tpu.memref_slice %arg5[%dma_start3A_918, %dma_start3A_919, %dma_start3A_920] : memref<2x128x256xf32, #tpu.memory_space<vmem>> -> memref<1x128x256xf32, #tpu.memory_space<vmem>>
    %dma_start3A_922 = tpu.memref_squeeze %dma_start3A_921 : memref<1x128x256xf32, #tpu.memory_space<vmem>> -> memref<128x256xf32, #tpu.memory_space<vmem>>
    %dma_start3A_923 = arith.constant 1792 : i32
    %dma_start3A_924 = arith.constant 0 : i32
    %dma_start3A_925 = tpu.memref_slice %arg2[%dma_start3A_923, %dma_start3A_924] : memref<2048x256xf32, #tpu.memory_space<hbm>> -> memref<128x256xf32, #tpu.memory_space<hbm>>
    %dma_start3A_926 = arith.constant 0 : i32
    %dma_start3A_927 = arith.constant 0 : i32
    %dma_start3A_928 = tpu.memref_slice %arg5[%dma_start3A_918, %dma_start3A_926, %dma_start3A_927] : memref<2x128x256xf32, #tpu.memory_space<vmem>> -> memref<1x128x256xf32, #tpu.memory_space<vmem>>
    %dma_start3A_929 = tpu.memref_squeeze %dma_start3A_928 : memref<1x128x256xf32, #tpu.memory_space<vmem>> -> memref<128x256xf32, #tpu.memory_space<vmem>>
    %dma_start3A_930 = arith.constant 1792 : i32
    %dma_start3A_931 = arith.constant 0 : i32
    %dma_start3A_932 = tpu.memref_slice %arg2[%dma_start3A_930, %dma_start3A_931] : memref<2048x256xf32, #tpu.memory_space<hbm>> -> memref<128x256xf32, #tpu.memory_space<hbm>>
    tpu.enqueue_dma source(%dma_start3A_932 : memref<128x256xf32, #tpu.memory_space<hbm>>) target(%dma_start3A_929 : memref<128x256xf32, #tpu.memory_space<vmem>>) target_semaphore(%arg7 : memref<!tpu.dma_semaphore, #tpu.memory_space<semaphore_mem>>)
    %dma_wait3A_933 = arith.constant 0 : i32
    %dma_wait3A_934 = arith.constant 0 : i32
    %dma_wait3A_935 = arith.constant 0 : i32
    %dma_wait3A_936 = tpu.memref_slice %arg5[%dma_wait3A_933, %dma_wait3A_934, %dma_wait3A_935] : memref<2x128x256xf32, #tpu.memory_space<vmem>> -> memref<1x128x256xf32, #tpu.memory_space<vmem>>
    %dma_wait3A_937 = tpu.memref_squeeze %dma_wait3A_936 : memref<1x128x256xf32, #tpu.memory_space<vmem>> -> memref<128x256xf32, #tpu.memory_space<vmem>>
    %dma_wait3A_938 = arith.constant 1792 : i32
    %dma_wait3A_939 = arith.constant 0 : i32
    %dma_wait3A_940 = tpu.memref_slice %arg2[%dma_wait3A_938, %dma_wait3A_939] : memref<2048x256xf32, #tpu.memory_space<hbm>> -> memref<128x256xf32, #tpu.memory_space<hbm>>
    %dma_wait3A_941 = arith.constant 0 : i32
    %dma_wait3A_942 = arith.constant 0 : i32
    %dma_wait3A_943 = tpu.memref_slice %arg5[%dma_wait3A_933, %dma_wait3A_941, %dma_wait3A_942] : memref<2x128x256xf32, #tpu.memory_space<vmem>> -> memref<1x128x256xf32, #tpu.memory_space<vmem>>
    %dma_wait3A_944 = tpu.memref_squeeze %dma_wait3A_943 : memref<1x128x256xf32, #tpu.memory_space<vmem>> -> memref<128x256xf32, #tpu.memory_space<vmem>>
    %dma_wait3A_945 = arith.constant 1792 : i32
    %dma_wait3A_946 = arith.constant 0 : i32
    %dma_wait3A_947 = tpu.memref_slice %arg2[%dma_wait3A_945, %dma_wait3A_946] : memref<2048x256xf32, #tpu.memory_space<hbm>> -> memref<128x256xf32, #tpu.memory_space<hbm>>
    tpu.wait_dma2 semaphore(%arg7 : memref<!tpu.dma_semaphore, #tpu.memory_space<semaphore_mem>>) src(%dma_wait3A_947 : memref<128x256xf32, #tpu.memory_space<hbm>>) dst(%dma_wait3A_944 : memref<128x256xf32, #tpu.memory_space<vmem>>)
    %dma_start3A_948 = arith.constant 0 : i32
    %dma_start3A_949 = arith.constant 0 : i32
    %dma_start3A_950 = arith.constant 0 : i32
    %dma_start3A_951 = tpu.memref_slice %arg5[%dma_start3A_948, %dma_start3A_949, %dma_start3A_950] : memref<2x128x256xf32, #tpu.memory_space<vmem>> -> memref<1x128x256xf32, #tpu.memory_space<vmem>>
    %dma_start3A_952 = tpu.memref_squeeze %dma_start3A_951 : memref<1x128x256xf32, #tpu.memory_space<vmem>> -> memref<128x256xf32, #tpu.memory_space<vmem>>
    %dma_start3A_953 = arith.constant 1792 : i32
    %dma_start3A_954 = arith.constant 0 : i32
    %dma_start3A_955 = tpu.memref_slice %arg3[%add3A_37, %dma_start3A_953, %dma_start3A_954] : memref<64x2048x256xf32, #tpu.memory_space<hbm>> -> memref<1x128x256xf32, #tpu.memory_space<hbm>>
    %dma_start3A_956 = tpu.memref_squeeze %dma_start3A_955 : memref<1x128x256xf32, #tpu.memory_space<hbm>> -> memref<128x256xf32, #tpu.memory_space<hbm>>
    %dma_start3A_957 = arith.constant 1792 : i32
    %dma_start3A_958 = arith.constant 0 : i32
    %dma_start3A_959 = tpu.memref_slice %arg3[%add3A_37, %dma_start3A_957, %dma_start3A_958] : memref<64x2048x256xf32, #tpu.memory_space<hbm>> -> memref<1x128x256xf32, #tpu.memory_space<hbm>>
    %dma_start3A_960 = tpu.memref_squeeze %dma_start3A_959 : memref<1x128x256xf32, #tpu.memory_space<hbm>> -> memref<128x256xf32, #tpu.memory_space<hbm>>
    %dma_start3A_961 = arith.constant 0 : i32
    %dma_start3A_962 = arith.constant 0 : i32
    %dma_start3A_963 = tpu.memref_slice %arg5[%dma_start3A_948, %dma_start3A_961, %dma_start3A_962] : memref<2x128x256xf32, #tpu.memory_space<vmem>> -> memref<1x128x256xf32, #tpu.memory_space<vmem>>
    %dma_start3A_964 = tpu.memref_squeeze %dma_start3A_963 : memref<1x128x256xf32, #tpu.memory_space<vmem>> -> memref<128x256xf32, #tpu.memory_space<vmem>>
    tpu.enqueue_dma source(%dma_start3A_964 : memref<128x256xf32, #tpu.memory_space<vmem>>) target(%dma_start3A_960 : memref<128x256xf32, #tpu.memory_space<hbm>>) target_semaphore(%arg8 : memref<!tpu.dma_semaphore, #tpu.memory_space<semaphore_mem>>)
    %dma_wait3A_965 = arith.constant 1 : i32
    %dma_wait3A_966 = arith.constant 0 : i32
    %dma_wait3A_967 = arith.constant 0 : i32
    %dma_wait3A_968 = tpu.memref_slice %arg5[%dma_wait3A_965, %dma_wait3A_966, %dma_wait3A_967] : memref<2x128x256xf32, #tpu.memory_space<vmem>> -> memref<1x128x256xf32, #tpu.memory_space<vmem>>
    %dma_wait3A_969 = tpu.memref_squeeze %dma_wait3A_968 : memref<1x128x256xf32, #tpu.memory_space<vmem>> -> memref<128x256xf32, #tpu.memory_space<vmem>>
    %dma_wait3A_970 = arith.constant 1664 : i32
    %dma_wait3A_971 = arith.constant 0 : i32
    %dma_wait3A_972 = tpu.memref_slice %arg3[%add3A_35, %dma_wait3A_970, %dma_wait3A_971] : memref<64x2048x256xf32, #tpu.memory_space<hbm>> -> memref<1x128x256xf32, #tpu.memory_space<hbm>>
    %dma_wait3A_973 = tpu.memref_squeeze %dma_wait3A_972 : memref<1x128x256xf32, #tpu.memory_space<hbm>> -> memref<128x256xf32, #tpu.memory_space<hbm>>
    %dma_wait3A_974 = arith.constant 1664 : i32
    %dma_wait3A_975 = arith.constant 0 : i32
    %dma_wait3A_976 = tpu.memref_slice %arg3[%add3A_35, %dma_wait3A_974, %dma_wait3A_975] : memref<64x2048x256xf32, #tpu.memory_space<hbm>> -> memref<1x128x256xf32, #tpu.memory_space<hbm>>
    %dma_wait3A_977 = tpu.memref_squeeze %dma_wait3A_976 : memref<1x128x256xf32, #tpu.memory_space<hbm>> -> memref<128x256xf32, #tpu.memory_space<hbm>>
    %dma_wait3A_978 = arith.constant 0 : i32
    %dma_wait3A_979 = arith.constant 0 : i32
    %dma_wait3A_980 = tpu.memref_slice %arg5[%dma_wait3A_965, %dma_wait3A_978, %dma_wait3A_979] : memref<2x128x256xf32, #tpu.memory_space<vmem>> -> memref<1x128x256xf32, #tpu.memory_space<vmem>>
    %dma_wait3A_981 = tpu.memref_squeeze %dma_wait3A_980 : memref<1x128x256xf32, #tpu.memory_space<vmem>> -> memref<128x256xf32, #tpu.memory_space<vmem>>
    tpu.wait_dma2 semaphore(%arg8 : memref<!tpu.dma_semaphore, #tpu.memory_space<semaphore_mem>>) src(%dma_wait3A_981 : memref<128x256xf32, #tpu.memory_space<vmem>>) dst(%dma_wait3A_977 : memref<128x256xf32, #tpu.memory_space<hbm>>)
    %dma_start3A_982 = arith.constant 1 : i32
    %dma_start3A_983 = arith.constant 0 : i32
    %dma_start3A_984 = arith.constant 0 : i32
    %dma_start3A_985 = tpu.memref_slice %arg5[%dma_start3A_982, %dma_start3A_983, %dma_start3A_984] : memref<2x128x256xf32, #tpu.memory_space<vmem>> -> memref<1x128x256xf32, #tpu.memory_space<vmem>>
    %dma_start3A_986 = tpu.memref_squeeze %dma_start3A_985 : memref<1x128x256xf32, #tpu.memory_space<vmem>> -> memref<128x256xf32, #tpu.memory_space<vmem>>
    %dma_start3A_987 = arith.constant 1920 : i32
    %dma_start3A_988 = arith.constant 0 : i32
    %dma_start3A_989 = tpu.memref_slice %arg2[%dma_start3A_987, %dma_start3A_988] : memref<2048x256xf32, #tpu.memory_space<hbm>> -> memref<128x256xf32, #tpu.memory_space<hbm>>
    %dma_start3A_990 = arith.constant 0 : i32
    %dma_start3A_991 = arith.constant 0 : i32
    %dma_start3A_992 = tpu.memref_slice %arg5[%dma_start3A_982, %dma_start3A_990, %dma_start3A_991] : memref<2x128x256xf32, #tpu.memory_space<vmem>> -> memref<1x128x256xf32, #tpu.memory_space<vmem>>
    %dma_start3A_993 = tpu.memref_squeeze %dma_start3A_992 : memref<1x128x256xf32, #tpu.memory_space<vmem>> -> memref<128x256xf32, #tpu.memory_space<vmem>>
    %dma_start3A_994 = arith.constant 1920 : i32
    %dma_start3A_995 = arith.constant 0 : i32
    %dma_start3A_996 = tpu.memref_slice %arg2[%dma_start3A_994, %dma_start3A_995] : memref<2048x256xf32, #tpu.memory_space<hbm>> -> memref<128x256xf32, #tpu.memory_space<hbm>>
    tpu.enqueue_dma source(%dma_start3A_996 : memref<128x256xf32, #tpu.memory_space<hbm>>) target(%dma_start3A_993 : memref<128x256xf32, #tpu.memory_space<vmem>>) target_semaphore(%arg7 : memref<!tpu.dma_semaphore, #tpu.memory_space<semaphore_mem>>)
    %dma_wait3A_997 = arith.constant 1 : i32
    %dma_wait3A_998 = arith.constant 0 : i32
    %dma_wait3A_999 = arith.constant 0 : i32
    %dma_wait3A_1000 = tpu.memref_slice %arg5[%dma_wait3A_997, %dma_wait3A_998, %dma_wait3A_999] : memref<2x128x256xf32, #tpu.memory_space<vmem>> -> memref<1x128x256xf32, #tpu.memory_space<vmem>>
    %dma_wait3A_1001 = tpu.memref_squeeze %dma_wait3A_1000 : memref<1x128x256xf32, #tpu.memory_space<vmem>> -> memref<128x256xf32, #tpu.memory_space<vmem>>
    %dma_wait3A_1002 = arith.constant 1920 : i32
    %dma_wait3A_1003 = arith.constant 0 : i32
    %dma_wait3A_1004 = tpu.memref_slice %arg2[%dma_wait3A_1002, %dma_wait3A_1003] : memref<2048x256xf32, #tpu.memory_space<hbm>> -> memref<128x256xf32, #tpu.memory_space<hbm>>
    %dma_wait3A_1005 = arith.constant 0 : i32
    %dma_wait3A_1006 = arith.constant 0 : i32
    %dma_wait3A_1007 = tpu.memref_slice %arg5[%dma_wait3A_997, %dma_wait3A_1005, %dma_wait3A_1006] : memref<2x128x256xf32, #tpu.memory_space<vmem>> -> memref<1x128x256xf32, #tpu.memory_space<vmem>>
    %dma_wait3A_1008 = tpu.memref_squeeze %dma_wait3A_1007 : memref<1x128x256xf32, #tpu.memory_space<vmem>> -> memref<128x256xf32, #tpu.memory_space<vmem>>
    %dma_wait3A_1009 = arith.constant 1920 : i32
    %dma_wait3A_1010 = arith.constant 0 : i32
    %dma_wait3A_1011 = tpu.memref_slice %arg2[%dma_wait3A_1009, %dma_wait3A_1010] : memref<2048x256xf32, #tpu.memory_space<hbm>> -> memref<128x256xf32, #tpu.memory_space<hbm>>
    tpu.wait_dma2 semaphore(%arg7 : memref<!tpu.dma_semaphore, #tpu.memory_space<semaphore_mem>>) src(%dma_wait3A_1011 : memref<128x256xf32, #tpu.memory_space<hbm>>) dst(%dma_wait3A_1008 : memref<128x256xf32, #tpu.memory_space<vmem>>)
    %dma_start3A_1012 = arith.constant 1 : i32
    %dma_start3A_1013 = arith.constant 0 : i32
    %dma_start3A_1014 = arith.constant 0 : i32
    %dma_start3A_1015 = tpu.memref_slice %arg5[%dma_start3A_1012, %dma_start3A_1013, %dma_start3A_1014] : memref<2x128x256xf32, #tpu.memory_space<vmem>> -> memref<1x128x256xf32, #tpu.memory_space<vmem>>
    %dma_start3A_1016 = tpu.memref_squeeze %dma_start3A_1015 : memref<1x128x256xf32, #tpu.memory_space<vmem>> -> memref<128x256xf32, #tpu.memory_space<vmem>>
    %dma_start3A_1017 = arith.constant 1920 : i32
    %dma_start3A_1018 = arith.constant 0 : i32
    %dma_start3A_1019 = tpu.memref_slice %arg3[%add3A_39, %dma_start3A_1017, %dma_start3A_1018] : memref<64x2048x256xf32, #tpu.memory_space<hbm>> -> memref<1x128x256xf32, #tpu.memory_space<hbm>>
    %dma_start3A_1020 = tpu.memref_squeeze %dma_start3A_1019 : memref<1x128x256xf32, #tpu.memory_space<hbm>> -> memref<128x256xf32, #tpu.memory_space<hbm>>
    %dma_start3A_1021 = arith.constant 1920 : i32
    %dma_start3A_1022 = arith.constant 0 : i32
    %dma_start3A_1023 = tpu.memref_slice %arg3[%add3A_39, %dma_start3A_1021, %dma_start3A_1022] : memref<64x2048x256xf32, #tpu.memory_space<hbm>> -> memref<1x128x256xf32, #tpu.memory_space<hbm>>
    %dma_start3A_1024 = tpu.memref_squeeze %dma_start3A_1023 : memref<1x128x256xf32, #tpu.memory_space<hbm>> -> memref<128x256xf32, #tpu.memory_space<hbm>>
    %dma_start3A_1025 = arith.constant 0 : i32
    %dma_start3A_1026 = arith.constant 0 : i32
    %dma_start3A_1027 = tpu.memref_slice %arg5[%dma_start3A_1012, %dma_start3A_1025, %dma_start3A_1026] : memref<2x128x256xf32, #tpu.memory_space<vmem>> -> memref<1x128x256xf32, #tpu.memory_space<vmem>>
    %dma_start3A_1028 = tpu.memref_squeeze %dma_start3A_1027 : memref<1x128x256xf32, #tpu.memory_space<vmem>> -> memref<128x256xf32, #tpu.memory_space<vmem>>
    tpu.enqueue_dma source(%dma_start3A_1028 : memref<128x256xf32, #tpu.memory_space<vmem>>) target(%dma_start3A_1024 : memref<128x256xf32, #tpu.memory_space<hbm>>) target_semaphore(%arg8 : memref<!tpu.dma_semaphore, #tpu.memory_space<semaphore_mem>>)
    %dma_wait3A_1029 = arith.constant 1 : i32
    %dma_wait3A_1030 = arith.constant 0 : i32
    %dma_wait3A_1031 = arith.constant 0 : i32
    %dma_wait3A_1032 = tpu.memref_slice %arg5[%dma_wait3A_1029, %dma_wait3A_1030, %dma_wait3A_1031] : memref<2x128x256xf32, #tpu.memory_space<vmem>> -> memref<1x128x256xf32, #tpu.memory_space<vmem>>
    %dma_wait3A_1033 = tpu.memref_squeeze %dma_wait3A_1032 : memref<1x128x256xf32, #tpu.memory_space<vmem>> -> memref<128x256xf32, #tpu.memory_space<vmem>>
    %dma_wait3A_1034 = arith.constant 1920 : i32
    %dma_wait3A_1035 = arith.constant 0 : i32
    %dma_wait3A_1036 = tpu.memref_slice %arg3[%add3A_39, %dma_wait3A_1034, %dma_wait3A_1035] : memref<64x2048x256xf32, #tpu.memory_space<hbm>> -> memref<1x128x256xf32, #tpu.memory_space<hbm>>
    %dma_wait3A_1037 = tpu.memref_squeeze %dma_wait3A_1036 : memref<1x128x256xf32, #tpu.memory_space<hbm>> -> memref<128x256xf32, #tpu.memory_space<hbm>>
    %dma_wait3A_1038 = arith.constant 1920 : i32
    %dma_wait3A_1039 = arith.constant 0 : i32
    %dma_wait3A_1040 = tpu.memref_slice %arg3[%add3A_39, %dma_wait3A_1038, %dma_wait3A_1039] : memref<64x2048x256xf32, #tpu.memory_space<hbm>> -> memref<1x128x256xf32, #tpu.memory_space<hbm>>
    %dma_wait3A_1041 = tpu.memref_squeeze %dma_wait3A_1040 : memref<1x128x256xf32, #tpu.memory_space<hbm>> -> memref<128x256xf32, #tpu.memory_space<hbm>>
    %dma_wait3A_1042 = arith.constant 0 : i32
    %dma_wait3A_1043 = arith.constant 0 : i32
    %dma_wait3A_1044 = tpu.memref_slice %arg5[%dma_wait3A_1029, %dma_wait3A_1042, %dma_wait3A_1043] : memref<2x128x256xf32, #tpu.memory_space<vmem>> -> memref<1x128x256xf32, #tpu.memory_space<vmem>>
    %dma_wait3A_1045 = tpu.memref_squeeze %dma_wait3A_1044 : memref<1x128x256xf32, #tpu.memory_space<vmem>> -> memref<128x256xf32, #tpu.memory_space<vmem>>
    tpu.wait_dma2 semaphore(%arg8 : memref<!tpu.dma_semaphore, #tpu.memory_space<semaphore_mem>>) src(%dma_wait3A_1045 : memref<128x256xf32, #tpu.memory_space<vmem>>) dst(%dma_wait3A_1041 : memref<128x256xf32, #tpu.memory_space<hbm>>)
    %dma_wait3A_1046 = arith.constant 0 : i32
    %dma_wait3A_1047 = arith.constant 0 : i32
    %dma_wait3A_1048 = tpu.memref_slice %arg3[%mul3A_4, %dma_wait3A_1046, %dma_wait3A_1047] : memref<64x2048x256xf32, #tpu.memory_space<hbm>> -> memref<1x2048x256xf32, #tpu.memory_space<hbm>>
    %dma_wait3A_1049 = tpu.memref_squeeze %dma_wait3A_1048 : memref<1x2048x256xf32, #tpu.memory_space<hbm>> -> memref<2048x256xf32, #tpu.memory_space<hbm>>
    tpu.wait_dma2 semaphore(%arg6 : memref<!tpu.dma_semaphore, #tpu.memory_space<semaphore_mem>>) src(%arg4 : memref<2048x256xf32, #tpu.memory_space<vmem_shared>>) dst(%dma_wait3A_1049 : memref<2048x256xf32, #tpu.memory_space<hbm>>)
    return
  }
}

</mosaic_0001>

<sc_bundles>
// kernel: kernel.3.cloned.1.call-start
scs
__scs_entry_jumppad:
0x0: {  	(pc) =	sbr.rel $0x88, $3  }
0x1: {  	(tag) =	ssettag $0x0;
	lr =	simm.s32 $0x1  }
0x2: {  	[smem:$0x3FA0] =	sst lr;
	_ =	strace $0xD0000000  }
0x3: {  	_ = 	snop  }
0x4: {  	_ = 	snop  }
0x5: {  	_ = 	snop  }
0x6: {  	_ = 	snop  }
0x7: {  	_ = 	snop  }
__scs_overlays_trampoline_lowered:
0x8: {  	[smem:$0x3FAF] =	sst s0  }
0x9: {  	[smem:$0x3FB0] =	sst s1  }
0xa: {  	[smem:$0x3FB1] =	sst s2  }
0xb: {  	[smem:$0x3FB2] =	sst s3  }
0xc: {  	[smem:$0x3FB3] =	sst s4  }
0xd: {  	[smem:$0x3FB4] =	sst s5  }
0xe: {  	[smem:$0x3FB5] =	sst s6  }
0xf: {  	[smem:$0x3FB6] =	sst s7  }
0x10: {  	[smem:$0x3FB7] =	sst s8  }
0x11: {  	[smem:$0x3FB8] =	sst s9;
	s0 =	simm.s32 @!p0 $0x0  }
0x12: {  	s1 =	sld [smem:$0x3F9E];
	s0 =	simm.s32 @p0 $0x1  }
0x13: {  	[smem:$0x3FB9] =	sst s0;
	s0 =	simm.s32 @!p1 $0x0  }
0x14: {  	s2 =	sld [smem:$0x3F9D];
	s0 =	simm.s32 @p1 $0x1  }
0x15: {  	[smem:$0x3FBA] =	sst s0;
	s0 =	simm.s32 @!p2 $0x0  }
0x16: {  	s3 =	sld [smem:$0x3FDB];
	s0 =	simm.s32 @p2 $0x1  }
0x17: {  	s4 =	simm.s32 $0x1BF5;
	[smem:$0x3FBC] =	sst s0  }
0x18: {  	s0 =	sld [smem:$0x3F9F];
	_ =	swait.ge [sflag:s4], $0x0  }
0x19: {  	s7 =	sld [smem:$0x3FA0]  }
0x1a: {  	s8 =	sadd.s32 $0xFFFFE003, lr  }
0x1b: {  	s9 =	sadd.s32 $0xFFFFFEF7, lr;
	s5 =	simm.s32 $0xFFFFFFFF;
	p2 =	slt.u32 s8, $0xFFFFF086  }
0x1c: {  	p1 =	slt.u32 s9, $0xF7A;
	s5 =	simm.s32 @!p2 $0x0  }
0x1d: {  	s5 =	simm.s32 @p1 $0x1;
	p0 =	seq.s32 s7, s2  }
0x1e: {  	s7 =	smul.u32 @!p0 $0xF7A, s2;
	p2 =	seq.s32 @!p0 s5, $0x0  }
0x1f: {  	s9 =	smul.u32 $0xF7A, s1;
	s8 =	simm.s32 @!p0 $0x1BF5;
	p2 =	por !p2, p0  }
0x20: {  	[sflag:s8] =	ssyncset.s32 @!p0 $0xFFFFF086;
	s6 =	sadd.s32 @!p0 s3, s7;
	s7 =	simm.s32 @!p0 $0x108  }
0x21: {  	s3 =	sadd.s32 s3, s9;
	s6 =	sadd.s32 @!p0 $0x88, s6;
	s7 =	simm.s32 @p2 $0x1082  }
0x22: {  	[simem:s7], [sflag:s8] =	dma.local @!p0 [hbm:s6], $0xF7A  }
0x23: {  	s9 =	sor.u32 $0xD0000000, s2;
	s6 =	simm.s32 $0x108;
	_ =	swait.ge @!p0 [sflag:s8], $0x0  }
0x24: {  	s3 =	sadd.s32 $0x88, s3;
	s6 =	simm.s32 @!p1 $0x1082;
	[sflag:s4] =	ssyncset.s32 $0xFFFFF086  }
0x25: {  	[simem:s6], [sflag:s4] =	dma.local [hbm:s3], $0xF7A  }
0x26: {  	[smem:$0x3FA0] =	sst s1;
	(tag) =	ssettag s2;
	_ =	strace s9  }
0x27: {  	s1 =	sld [smem:$0x3FB0]  }
0x28: {  	s2 =	sld [smem:$0x3FB1]  }
0x29: {  	s4 =	sld [smem:$0x3FB3]  }
0x2a: {  	p0 =	seq.s32 s5, $0x0;
	s5 =	sld [smem:$0x3FB4]  }
0x2b: {  	s6 =	sld [smem:$0x3FB5]  }
0x2c: {  	s7 =	sld [smem:$0x3FB6]  }
0x2d: {  	s3 =	simm.s32 $0x108;
	s8 =	sld [smem:$0x3FB7]  }
0x2e: {  	s3 =	simm.s32 @!p0 $0x1082;
	s9 =	sld [smem:$0x3FB8]  }
0x2f: {  	lr =	sadd.s32 s0, s3;
	s0 =	sld [smem:$0x3FAF]  }
0x30: {  	s3 =	sld [smem:$0x3FB2]  }
0x31: {  	[smem:$0x3FBB] =	sst s10  }
0x32: {  	s10 =	sld [smem:$0x3FB9];
	_ =	sdelay $0x3  }
0x33: {  	p0 =	seq.s32 s10, $0x1;
	s10 =	sld [smem:$0x3FBB];
	_ =	sdelay $0x3  }
0x34: {  	[smem:$0x3FBB] =	sst s10  }
0x35: {  	s10 =	sld [smem:$0x3FBA];
	_ =	sdelay $0x3  }
0x36: {  	p1 =	seq.s32 s10, $0x1;
	s10 =	sld [smem:$0x3FBB];
	_ =	sdelay $0x3  }
0x37: {  	[smem:$0x3FBB] =	sst s10  }
0x38: {  	s10 =	sld [smem:$0x3FBC]  }
0x39: {  	_ = 	snop;
	(pc) =	sbr.ind lr, $3  }
0x3a: {  	_ = 	snop  }
0x3b: {  	_ = 	snop  }
0x3c: {  	p2 =	seq.s32 s10, $0x1;
	s10 =	sld [smem:$0x3FBB]  }
0x3d: {  	_ =	shalt  }
0x3e: {  	_ =	shalt  }
0x3f: {  	_ =	shalt  }
0x40: {  	_ =	shalt  }
0x41: {  	_ =	shalt  }
0x42: {  	_ =	shalt  }
0x43: {  	_ =	shalt  }
0x44: {  	_ =	shalt  }
0x45: {  	_ =	shalt  }
0x46: {  	_ =	shalt  }
0x47: {  	_ =	shalt  }
0x48: {  	_ =	shalt  }
0x49: {  	_ =	shalt  }
0x4a: {  	_ =	shalt  }
0x4b: {  	_ =	shalt  }
0x4c: {  	_ =	shalt  }
0x4d: {  	_ =	shalt  }
0x4e: {  	_ =	shalt  }
0x4f: {  	_ =	shalt  }
0x50: {  	_ =	shalt  }
0x51: {  	_ =	shalt  }
0x52: {  	_ =	shalt  }
0x53: {  	_ =	shalt  }
0x54: {  	_ =	shalt  }
0x55: {  	_ =	shalt  }
0x56: {  	_ =	shalt  }
0x57: {  	_ =	shalt  }
0x58: {  	_ =	shalt  }
0x59: {  	_ =	shalt  }
0x5a: {  	_ =	shalt  }
0x5b: {  	_ =	shalt  }
0x5c: {  	_ =	shalt  }
0x5d: {  	_ =	shalt  }
0x5e: {  	_ =	shalt  }
0x5f: {  	_ =	shalt  }
0x60: {  	_ =	shalt  }
0x61: {  	_ =	shalt  }
0x62: {  	_ =	shalt  }
0x63: {  	_ =	shalt  }
0x64: {  	_ =	shalt  }
0x65: {  	_ =	shalt  }
0x66: {  	_ =	shalt  }
0x67: {  	_ =	shalt  }
0x68: {  	_ =	shalt  }
0x69: {  	_ =	shalt  }
0x6a: {  	_ =	shalt  }
0x6b: {  	_ =	shalt  }
0x6c: {  	_ =	shalt  }
0x6d: {  	_ =	shalt  }
0x6e: {  	_ =	shalt  }
0x6f: {  	_ =	shalt  }
0x70: {  	_ =	shalt  }
0x71: {  	_ =	shalt  }
0x72: {  	_ =	shalt  }
0x73: {  	_ =	shalt  }
0x74: {  	_ =	shalt  }
0x75: {  	_ =	shalt  }
0x76: {  	_ =	shalt  }
0x77: {  	_ =	shalt  }
0x78: {  	_ =	shalt  }
0x79: {  	_ =	shalt  }
0x7a: {  	_ =	shalt  }
0x7b: {  	_ =	shalt  }
0x7c: {  	_ =	shalt  }
0x7d: {  	_ =	shalt  }
0x7e: {  	_ =	shalt  }
0x7f: {  	_ =	shalt  }
0x80: {  	_ =	shalt  }
0x81: {  	_ =	shalt  }
0x82: {  	_ =	shalt  }
0x83: {  	_ =	shalt  }
0x84: {  	_ =	shalt  }
0x85: {  	_ =	shalt  }
0x86: {  	_ =	shalt  }
0x87: {  	_ =	shalt  }
.Lfunc_end0:
.L_simem_size_0:
called_computation_lowered:
.L_overlay_start_0:
0x88: {  	s2 =	sld [smem:$0x3FD9]  }
0x89: {  	s3 =	sld [smem:$0x3FFE];
	_ =	sdelay $0x1  }
0x8a: {  	s1 =	srdreg.scid  }
0x8b: {  	s0 =	sand.u32 $0x1, s1  }
0x8c: {  	s18 =	sshll.u32 s0, $0xA;
	s2 =	sadd.s32 s3, s2  }
0x8d: {  	s2 =	sadd.s32 s2, s18  }
0x8e: {  	[smem:$0x3FC7] =	sst s2  }
0x8f: {  	_ = 	snop  }
0x90: {  	s2 =	sld [smem:$0x3FC9]  }
0x91: {  	s19 =	sld [smem:$0x3FD0];
	(tm) =	ssettm $0x1  }
0x92: {  	s4 =	sld [smem:$0x3FFB];
	_ =	sdelay $0x3  }
0x93: {  	_ =	strace s4  }
0x94: {  	s4 =	sld [smem:$0x3FFC];
	_ =	sdelay $0x3  }
0x95: {  	_ =	strace s4  }
0x96: {  	s4 =	sld [smem:$0x3FFD];
	_ =	sdelay $0x3  }
0x97: {  	_ =	strace s4  }
0x98: {  	_ =	strace $0x8FFFFFFF  }
0x99: {  	s20 =	sld [smem:$0x3FDB];
	_ =	sdelay $0x1  }
0x9a: {  	s5 =	simm.s32 $_scs_section_size  }
0x9b: {  	s6 =	simm.s32 $_size__tile_overlayer_lowered;
	s7 =	simm.s32 $_tile_overlayer_lowered  }
0x9c: {  	s23 =	simm.s32 $0x1BFF;
	s22 =	sshll.u32 s7, $0x1;
	s4 =	sadd.s32 s5, s20  }
0x9d: {  	s8 =	simm.s32 $0x0;
	s21 =	sshll.u32 s6, $0x1;
	s6 =	sadd.s32 s22, s4  }
0x9e: {  	[timem:s8], [sflag:s23] =	dma.local [hbm:s6], s21  }
0x9f: {  	_ =	swait.ge [sflag:s23], s21  }
0xa0: {  	s5 =	ssub.s32 $0x0, s21;
	[sflag:s23] =	ssyncset.done $0x0  }
0xa1: {  	[sflag:s23] =	ssyncadd.s32 s5;
	_ =	sdelay $0x1  }
0xa2: {  	s24 =	simm.s32 $0x1B8B  }
0xa3: {  	_ =	swait.ge [sflag:s24], $0x1  }
0xa4: {  	[sflag:s24] =	ssyncset.done $0x0  }
0xa5: {  	s25 =	simm.s32 $0x1B8E;
	[sflag:s24] =	ssyncadd.s32 $0xFFFFFFFF  }
0xa6: {  	s26 =	simm.s32 $execute0_lowered;
	[smem:$0x3FD2] =	sst s25  }
0xa7: {  	s5 =	sshll.u32 s26, $0x1;
	_ =	strace $0x80000046;
	[dreg:$0x1] =	wrdreg $0xFFFFFFFF  }
0xa8: {  	s28 =	simm.s32 $_size_execute0_lowered;
	s4 =	sadd.s32 s4, s5;
	[dreg:$0x0] =	wrdreg $0x0  }
0xa9: {  	s5 =	sshll.u32 s28, $0x1;
	[dreg:$0x2] =	wrdreg s4  }
0xaa: {  	[dreg:$0x3] =	wrdreg s5  }
0xab: {  	[dreg:$0x4] =	wrdreg $0xC0  }
0xac: {  	_ =	task [dreg:s8], $0x5FFFF  }
0xad: {  	[dreg:$0x1] =	wrdreg $0xFFFFFFFF  }
0xae: {  	[dreg:$0x0] =	wrdreg $0x60  }
0xaf: {  	[dreg:$0x2] =	wrdreg s2  }
0xb0: {  	[dreg:$0x3] =	wrdreg s19  }
0xb1: {  	[dreg:$0x4] =	wrdreg $0x0  }
0xb2: {  	[dreg:$0x5] =	wrdreg $0x9  }
0xb3: {  	_ =	task.clear_ibuf [dreg:s8], $0x6FFFF;
	_ =	strace $0x90000046  }
0xb4: {  	s29 =	simm.s32 $0x9;
	_ =	strace $0x80000048  }
0xb5: {  	_ =	swait.ge [sflag:s29], $0x1  }
0xb6: {  	[sflag:s29] =	ssyncadd.s32 $0xFFFFFFFF  }
0xb7: {  	_ =	strace $0x90000048  }
0xb8: {  	_ =	sfence  }
0xb9: {  	s30 =	sld [smem:$0x0];
	_ =	sdelay $0x2  }
0xba: {  	s31 =	sshll.u32 s1, $0xD;
	s1 =	sshrl.u32 s1, $0x2  }
0xbb: {  	s3 =	sand.u32 $0x4000, s31;
	s1 =	sadd.s32 s1, s30  }
0xbc: {  	s0 =	sor.u32 s3, s0;
	s1 =	sshll.u32 s1, $0x11  }
0xbd: {  	s0 =	sor.u32 s1, s0  }
0xbe: {  	s0 =	sadd.s32 $0x8F2B, s0  }
0xbf: {  	[sflag:s0] =	ssyncadd.remote.s32 $0x1  }
0xc0: {  	_ =	sfence.sel $0xFFFF  }
0xc1: {  	[dreg:$0x0] =	wrdreg $0xFFFFFFFF;
	(pc) =	sbr.abs _section_cstart, $3  }
0xc2: {  	[dreg:$0x1] =	wrdreg $0xFFFFFFFF  }
0xc3: {  	_ =	task.clear_ibuf [dreg:s8], $0x2FFFF;
	_ =	strace $0x9FFFFFFF  }
0xc4: {  	(tm) =	ssettm $0x7FFFFFFF  }
0xc5: {  	_ =	shalt  }
tec
execute0_lowered:
.L_overlay_start_1:
0x0: {  	(tag) =	ssettag $0x1  }
0x1: {  	s23 =	rddreg [dreg:$0x0]  }
0x2: {  	s0 =	rddreg [dreg:$0x1]  }
0x3: {  	s1 =	rddreg [dreg:$0x2]  }
0x4: {  	s30 =	rddreg [dreg:$0x3]  }
0x5: {  	s2 =	simm.s32 $0x0;
	s3 =	srdreg.scid;
	s31 =	stileid.u32  }
0x6: {  	s28 =	simm.s32 $0x4;
	p0 =	por $0x0, $0x0;
	[smem:$0x7FF] =	sst s2  }
0x7: {  	s3 =	sand.u32 $0x1, s3;
	s4 =	sshll.u32 s31, $0xC;
	s8 =	sadd.s32 $0x2000, s23  }
0x8: {  	s10 =	sadd.s32 $0x3000, s23;
	_ =	strace $0x80000047;
	[dreg:$0x9] =	wrdreg s8  }
0x9: {  	s5 =	sshll.u32 s31, $0x12;
	s12 =	sadd.s32 $0x4000, s23;
	[dreg:$0xb] =	wrdreg s10  }
0xa: {  	s25 =	sshll.u32 s31, $0x6;
	s14 =	sadd.s32 $0x5000, s23;
	[dreg:$0xd] =	wrdreg s12  }
0xb: {  	s16 =	sadd.s32 $0x6000, s23;
	s18 =	sadd.s32 $0x7000, s23;
	[dreg:$0xf] =	wrdreg s14  }
0xc: {  	s21 =	sshll.u32 s31, $0xF;
	s22 =	sadd.s32 $0x8000, s23;
	[dreg:$0x11] =	wrdreg s16  }
0xd: {  	s6 =	sshll.u32 s3, $0x11;
	s4 =	sadd.s32 s23, s4;
	[dreg:$0x13] =	wrdreg s18  }
0xe: {  	s24 =	sor.u32 $0x1C04, s25;
	s3 =	ssub.s32 $0x2, s3;
	[dreg:$0x15] =	wrdreg s22  }
0xf: {  	s8 =	sadd.s32 $0xE000, s23;
	s12 =	simm.s32 $0x8000;
	[dreg:$0x4] =	wrdreg s4  }
0x10: {  	s10 =	simm.s32 $0x10000;
	s5 =	sor.u32 s6, s5;
	[dreg:$0x5] =	wrdreg s24  }
0x11: {  	s6 =	sadd.s32 $0x1000, s23;
	s19 =	sshrl.u32 s3, $0x1;
	s4 =	sadd.s32 $0xF000, s23  }
0x12: {  	s26 =	sadd.s32 s0, s5;
	[dreg:$0x7] =	wrdreg s6;
	s5 =	sadd.s32 s21, s1  }
0x13: {  	s21 =	sadd.s32 $0x9000, s23;
	s0 =	sadd.s32 $0x10000, s26;
	s7 =	sadd.s32 $0x11000, s26  }
0x14: {  	s9 =	sadd.s32 $0x12000, s26;
	s11 =	sadd.s32 $0x13000, s26;
	s13 =	sadd.s32 $0x14000, s26  }
0x15: {  	s15 =	sadd.s32 $0x15000, s26;
	s17 =	sadd.s32 $0x16000, s26;
	[dreg:$0x6] =	wrdreg s0  }
0x16: {  	s20 =	sadd.s32 $0x17000, s26;
	s22 =	sadd.s32 $0x18000, s26;
	[dreg:$0x8] =	wrdreg s7  }
0x17: {  	s18 =	sadd.s32 $0x1A000, s26;
	s16 =	sadd.s32 $0x1B000, s26;
	[dreg:$0xa] =	wrdreg s9  }
0x18: {  	s14 =	sadd.s32 $0x1C000, s26;
	[dreg:$0xc] =	wrdreg s11;
	s7 =	ssub.s32 s3, s19  }
0x19: {  	s6 =	sadd.s32 $0x1E000, s26;
	[dreg:$0xe] =	wrdreg s13;
	s24 =	smax.u32 s7, $0x1  }
0x1a: {  	s29 =	sshrl.u32 s5, $0x3;
	[dreg:$0x10] =	wrdreg s15;
	p1 =	sne.s32 s24, $0x1  }
.Ltmp0:
0x1b: {  	s5 =	simm.s32 $0x1;
	[dreg:$0x12] =	wrdreg s17;
	(pc) =	sbr.rel @!p1 .LBB2_5-.Ltmp0, $4  }
0x1c: {  	[dreg:$0x14] =	wrdreg s20;
	s20 =	sadd.s32 $0x19000, s26;
	s19 =	sadd.s32 $0xA000, s23  }
0x1d: {  	s17 =	sadd.s32 $0xB000, s23;
	s15 =	sadd.s32 $0xC000, s23;
	s13 =	sadd.s32 $0xD000, s23  }
0x1e: {  	s11 =	sadd.s32 $0x1D000, s26;
	s3 =	sadd.s32 $0x1F000, s26;
	s9 =	simm.s32 $0x2  }
0x1f: {  	s7 =	simm.s32 $0x3;
	s0 =	sadd.s32 $0xFFFFFFFF, s24;
	s24 =	rddreg [dreg:$0x4]  }
0x20: {  	s30 =	rddreg [dreg:$0x5]  }
0x21: {  	[spmem:s29], [sflag:s30] =	dma.local [hbm:s24], $0x1000  }
0x22: {  	_ =	swait.ge [sflag:s28], $0x1000  }
0x23: {  	[sflag:s28] =	ssyncset.done $0x0  }
0x24: {  	[sflag:s28] =	ssyncadd.s32 $0xFFFFF000  }
0x25: {  	s31 =	sshrl.u32 s1, $0x3;
	s30 =	sor.u32 $0x1C01, s25;
	[bflag:$0x0] =	sbarrier.arrive $0xFFFF  }
0x26: {  	[hbm:s26], [sflag:s30] =	dma.local [spmem:s31], $0x10000  }
0x27: {  	[tilespmem:s12], [sflag:$0x2] =	stream.linear.gather [hbm4b:s23+s2], $0x8000, $0x38;
	[tilespmem:$0x18000] =	vst v63  }
0x28: {  	_ =	swait.ge [sflag:s9], $0x8000  }
0x29: {  	[sflag:s9] =	ssyncset.done $0x0  }
0x2a: {  	s24 =	rddreg [dreg:$0x6];
	[sflag:s9] =	ssyncadd.s32 $0xFFFF8000  }
0x2b: {  	[hbm4b:s24+s2] =	stream.linear.scatter [tilespmem:s12], [sflag:$0x3], $0x8000, $0x38;
	[tilespmem:$0x18000] =	vst v63  }
0x2c: {  	s1 =	rddreg [dreg:$0x7]  }
0x2d: {  	[tilespmem:s10], [sflag:$0x2] =	stream.linear.gather [hbm4b:s1+s2], $0x8000, $0x38;
	[tilespmem:$0x18000] =	vst v63  }
0x2e: {  	_ =	swait.ge [sflag:s9], $0x8000  }
0x2f: {  	[sflag:s9] =	ssyncset.done $0x0  }
0x30: {  	s24 =	rddreg [dreg:$0x8];
	[sflag:s9] =	ssyncadd.s32 $0xFFFF8000  }
0x31: {  	[hbm4b:s24+s2] =	stream.linear.scatter [tilespmem:s10], [sflag:$0x3], $0x8000, $0x38;
	[tilespmem:$0x18000] =	vst v63  }
0x32: {  	_ =	swait.ge [sflag:s7], $0x8000  }
0x33: {  	[sflag:s7] =	ssyncset.done $0x0  }
0x34: {  	s24 =	rddreg [dreg:$0x9];
	[sflag:s7] =	ssyncadd.s32 $0xFFFF8000  }
0x35: {  	[tilespmem:s12], [sflag:$0x2] =	stream.linear.gather [hbm4b:s24+s2], $0x8000, $0x38;
	[tilespmem:$0x18000] =	vst v63  }
0x36: {  	_ =	swait.ge [sflag:s9], $0x8000  }
0x37: {  	[sflag:s9] =	ssyncset.done $0x0  }
0x38: {  	s24 =	rddreg [dreg:$0xa];
	[sflag:s9] =	ssyncadd.s32 $0xFFFF8000  }
0x39: {  	[hbm4b:s24+s2] =	stream.linear.scatter [tilespmem:s12], [sflag:$0x3], $0x8000, $0x38;
	[tilespmem:$0x18000] =	vst v63  }
0x3a: {  	_ =	swait.ge [sflag:s7], $0x8000  }
0x3b: {  	[sflag:s7] =	ssyncset.done $0x0  }
0x3c: {  	s24 =	rddreg [dreg:$0xb];
	[sflag:s7] =	ssyncadd.s32 $0xFFFF8000  }
0x3d: {  	[tilespmem:s10], [sflag:$0x2] =	stream.linear.gather [hbm4b:s24+s2], $0x8000, $0x38;
	[tilespmem:$0x18000] =	vst v63  }
0x3e: {  	_ =	swait.ge [sflag:s9], $0x8000  }
0x3f: {  	[sflag:s9] =	ssyncset.done $0x0  }
0x40: {  	s24 =	rddreg [dreg:$0xc];
	[sflag:s9] =	ssyncadd.s32 $0xFFFF8000  }
0x41: {  	[hbm4b:s24+s2] =	stream.linear.scatter [tilespmem:s10], [sflag:$0x3], $0x8000, $0x38;
	[tilespmem:$0x18000] =	vst v63  }
0x42: {  	_ =	swait.ge [sflag:s7], $0x8000  }
0x43: {  	[sflag:s7] =	ssyncset.done $0x0  }
0x44: {  	s24 =	rddreg [dreg:$0xd];
	[sflag:s7] =	ssyncadd.s32 $0xFFFF8000  }
0x45: {  	[tilespmem:s12], [sflag:$0x2] =	stream.linear.gather [hbm4b:s24+s2], $0x8000, $0x38;
	[tilespmem:$0x18000] =	vst v63  }
0x46: {  	_ =	swait.ge [sflag:s9], $0x8000  }
0x47: {  	[sflag:s9] =	ssyncset.done $0x0  }
0x48: {  	s24 =	rddreg [dreg:$0xe];
	[sflag:s9] =	ssyncadd.s32 $0xFFFF8000  }
0x49: {  	[hbm4b:s24+s2] =	stream.linear.scatter [tilespmem:s12], [sflag:$0x3], $0x8000, $0x38;
	[tilespmem:$0x18000] =	vst v63  }
0x4a: {  	_ =	swait.ge [sflag:s7], $0x8000  }
0x4b: {  	[sflag:s7] =	ssyncset.done $0x0  }
0x4c: {  	s24 =	rddreg [dreg:$0xf];
	[sflag:s7] =	ssyncadd.s32 $0xFFFF8000  }
0x4d: {  	[tilespmem:s10], [sflag:$0x2] =	stream.linear.gather [hbm4b:s24+s2], $0x8000, $0x38;
	[tilespmem:$0x18000] =	vst v63  }
0x4e: {  	_ =	swait.ge [sflag:s9], $0x8000  }
0x4f: {  	[sflag:s9] =	ssyncset.done $0x0  }
0x50: {  	s24 =	rddreg [dreg:$0x10];
	[sflag:s9] =	ssyncadd.s32 $0xFFFF8000  }
0x51: {  	[hbm4b:s24+s2] =	stream.linear.scatter [tilespmem:s10], [sflag:$0x3], $0x8000, $0x38;
	[tilespmem:$0x18000] =	vst v63  }
0x52: {  	_ =	swait.ge [sflag:s7], $0x8000  }
0x53: {  	[sflag:s7] =	ssyncset.done $0x0  }
0x54: {  	s24 =	rddreg [dreg:$0x11];
	[sflag:s7] =	ssyncadd.s32 $0xFFFF8000  }
0x55: {  	[tilespmem:s12], [sflag:$0x2] =	stream.linear.gather [hbm4b:s24+s2], $0x8000, $0x38;
	[tilespmem:$0x18000] =	vst v63  }
0x56: {  	_ =	swait.ge [sflag:s9], $0x8000  }
0x57: {  	[sflag:s9] =	ssyncset.done $0x0  }
0x58: {  	s24 =	rddreg [dreg:$0x12];
	[sflag:s9] =	ssyncadd.s32 $0xFFFF8000  }
0x59: {  	[hbm4b:s24+s2] =	stream.linear.scatter [tilespmem:s12], [sflag:$0x3], $0x8000, $0x38;
	[tilespmem:$0x18000] =	vst v63  }
0x5a: {  	_ =	swait.ge [sflag:s7], $0x8000  }
0x5b: {  	[sflag:s7] =	ssyncset.done $0x0  }
0x5c: {  	s24 =	rddreg [dreg:$0x13];
	[sflag:s7] =	ssyncadd.s32 $0xFFFF8000  }
0x5d: {  	[tilespmem:s10], [sflag:$0x2] =	stream.linear.gather [hbm4b:s24+s2], $0x8000, $0x38;
	[tilespmem:$0x18000] =	vst v63  }
0x5e: {  	_ =	swait.ge [sflag:s9], $0x8000  }
0x5f: {  	[sflag:s9] =	ssyncset.done $0x0  }
0x60: {  	s24 =	rddreg [dreg:$0x14];
	[sflag:s9] =	ssyncadd.s32 $0xFFFF8000  }
0x61: {  	[hbm4b:s24+s2] =	stream.linear.scatter [tilespmem:s10], [sflag:$0x3], $0x8000, $0x38;
	[tilespmem:$0x18000] =	vst v63  }
0x62: {  	_ =	swait.ge [sflag:s7], $0x8000  }
0x63: {  	[sflag:s7] =	ssyncset.done $0x0  }
0x64: {  	s24 =	rddreg [dreg:$0x15];
	[sflag:s7] =	ssyncadd.s32 $0xFFFF8000  }
0x65: {  	[tilespmem:s12], [sflag:$0x2] =	stream.linear.gather [hbm4b:s24+s2], $0x8000, $0x38;
	[tilespmem:$0x18000] =	vst v63  }
0x66: {  	_ =	swait.ge [sflag:s9], $0x8000  }
0x67: {  	[sflag:s9] =	ssyncset.done $0x0  }
0x68: {  	[sflag:s9] =	ssyncadd.s32 $0xFFFF8000  }
0x69: {  	[hbm4b:s22+s2] =	stream.linear.scatter [tilespmem:s12], [sflag:$0x3], $0x8000, $0x38;
	[tilespmem:$0x18000] =	vst v63  }
0x6a: {  	_ =	swait.ge [sflag:s7], $0x8000  }
0x6b: {  	[sflag:s7] =	ssyncset.done $0x0  }
0x6c: {  	[sflag:s7] =	ssyncadd.s32 $0xFFFF8000  }
0x6d: {  	[tilespmem:s10], [sflag:$0x2] =	stream.linear.gather [hbm4b:s21+s2], $0x8000, $0x38;
	[tilespmem:$0x18000] =	vst v63  }
0x6e: {  	_ =	swait.ge [sflag:s9], $0x8000  }
0x6f: {  	[sflag:s9] =	ssyncset.done $0x0  }
0x70: {  	[sflag:s9] =	ssyncadd.s32 $0xFFFF8000  }
0x71: {  	[hbm4b:s20+s2] =	stream.linear.scatter [tilespmem:s10], [sflag:$0x3], $0x8000, $0x38;
	[tilespmem:$0x18000] =	vst v63  }
0x72: {  	_ =	swait.ge [sflag:s7], $0x8000  }
0x73: {  	[sflag:s7] =	ssyncset.done $0x0  }
0x74: {  	[sflag:s7] =	ssyncadd.s32 $0xFFFF8000  }
0x75: {  	[tilespmem:s12], [sflag:$0x2] =	stream.linear.gather [hbm4b:s19+s2], $0x8000, $0x38;
	[tilespmem:$0x18000] =	vst v63  }
0x76: {  	_ =	swait.ge [sflag:s9], $0x8000  }
0x77: {  	[sflag:s9] =	ssyncset.done $0x0  }
0x78: {  	[sflag:s9] =	ssyncadd.s32 $0xFFFF8000  }
0x79: {  	[hbm4b:s18+s2] =	stream.linear.scatter [tilespmem:s12], [sflag:$0x3], $0x8000, $0x38;
	[tilespmem:$0x18000] =	vst v63  }
0x7a: {  	_ =	swait.ge [sflag:s7], $0x8000  }
0x7b: {  	[sflag:s7] =	ssyncset.done $0x0  }
0x7c: {  	[sflag:s7] =	ssyncadd.s32 $0xFFFF8000  }
0x7d: {  	[tilespmem:s10], [sflag:$0x2] =	stream.linear.gather [hbm4b:s17+s2], $0x8000, $0x38;
	[tilespmem:$0x18000] =	vst v63  }
0x7e: {  	_ =	swait.ge [sflag:s9], $0x8000  }
0x7f: {  	[sflag:s9] =	ssyncset.done $0x0  }
0x80: {  	[sflag:s9] =	ssyncadd.s32 $0xFFFF8000  }
0x81: {  	[hbm4b:s16+s2] =	stream.linear.scatter [tilespmem:s10], [sflag:$0x3], $0x8000, $0x38;
	[tilespmem:$0x18000] =	vst v63  }
0x82: {  	_ =	swait.ge [sflag:s7], $0x8000  }
0x83: {  	[sflag:s7] =	ssyncset.done $0x0  }
0x84: {  	[sflag:s7] =	ssyncadd.s32 $0xFFFF8000  }
0x85: {  	[tilespmem:s12], [sflag:$0x2] =	stream.linear.gather [hbm4b:s15+s2], $0x8000, $0x38;
	[tilespmem:$0x18000] =	vst v63  }
0x86: {  	_ =	swait.ge [sflag:s9], $0x8000  }
0x87: {  	[sflag:s9] =	ssyncset.done $0x0  }
0x88: {  	[sflag:s9] =	ssyncadd.s32 $0xFFFF8000  }
0x89: {  	[hbm4b:s14+s2] =	stream.linear.scatter [tilespmem:s12], [sflag:$0x3], $0x8000, $0x38;
	[tilespmem:$0x18000] =	vst v63  }
0x8a: {  	_ =	swait.ge [sflag:s7], $0x8000  }
0x8b: {  	[sflag:s7] =	ssyncset.done $0x0  }
0x8c: {  	[sflag:s7] =	ssyncadd.s32 $0xFFFF8000  }
0x8d: {  	[tilespmem:s10], [sflag:$0x2] =	stream.linear.gather [hbm4b:s13+s2], $0x8000, $0x38;
	[tilespmem:$0x18000] =	vst v63  }
0x8e: {  	_ =	swait.ge [sflag:s9], $0x8000  }
0x8f: {  	[sflag:s9] =	ssyncset.done $0x0  }
0x90: {  	[sflag:s9] =	ssyncadd.s32 $0xFFFF8000  }
0x91: {  	[hbm4b:s11+s2] =	stream.linear.scatter [tilespmem:s10], [sflag:$0x3], $0x8000, $0x38;
	[tilespmem:$0x18000] =	vst v63  }
0x92: {  	_ =	swait.ge [sflag:s7], $0x8000  }
0x93: {  	[sflag:s7] =	ssyncset.done $0x0  }
0x94: {  	[sflag:s7] =	ssyncadd.s32 $0xFFFF8000  }
0x95: {  	[tilespmem:s12], [sflag:$0x2] =	stream.linear.gather [hbm4b:s8+s2], $0x8000, $0x38;
	[tilespmem:$0x18000] =	vst v63  }
0x96: {  	_ =	swait.ge [sflag:s9], $0x8000  }
0x97: {  	[sflag:s9] =	ssyncset.done $0x0  }
0x98: {  	[sflag:s9] =	ssyncadd.s32 $0xFFFF8000  }
0x99: {  	[hbm4b:s6+s2] =	stream.linear.scatter [tilespmem:s12], [sflag:$0x3], $0x8000, $0x38;
	[tilespmem:$0x18000] =	vst v63  }
0x9a: {  	_ =	swait.ge [sflag:s7], $0x8000  }
0x9b: {  	[sflag:s7] =	ssyncset.done $0x0  }
0x9c: {  	[sflag:s7] =	ssyncadd.s32 $0xFFFF8000  }
0x9d: {  	[tilespmem:s10], [sflag:$0x2] =	stream.linear.gather [hbm4b:s4+s2], $0x8000, $0x38;
	[tilespmem:$0x18000] =	vst v63  }
0x9e: {  	_ =	swait.ge [sflag:s9], $0x8000  }
0x9f: {  	[sflag:s9] =	ssyncset.done $0x0  }
0xa0: {  	p1 =	sne.s32 s0, $0x1;
	[sflag:s9] =	ssyncadd.s32 $0xFFFF8000  }
0xa1: {  	[hbm4b:s3+s2] =	stream.linear.scatter [tilespmem:s10], [sflag:$0x3], $0x8000, $0x38;
	[tilespmem:$0x18000] =	vst v63  }
.Ltmp1:
0xa2: {  	_ =	swait.ge [sflag:s7], $0x8000;
	(pc) =	sbr.rel @!p1 .LBB2_2-.Ltmp1, $4  }
0xa3: {  	[sflag:s7] =	ssyncset.done $0x0  }
0xa4: {  	[sflag:s7] =	ssyncadd.s32 $0xFFFF8000  }
0xa5: {  	s0 =	sadd.s32 $0xFFFFFFFF, s0;
	_ =	swait.ge [sflag:s5], $0x10000  }
0xa6: {  	p0 =	por $0x1, $0x1;
	s24 =	rddreg [dreg:$0x4];
	[sflag:s5] =	ssyncset.done $0x0  }
.LBB2_3:
0xa7: {  	s1 =	rddreg [dreg:$0x5];
	[sflag:s5] =	ssyncadd.s32 $0xFFFF0000  }
0xa8: {  	[spmem:s29], [sflag:s1] =	dma.local [hbm:s24], $0x1000  }
0xa9: {  	_ =	swait.ge [sflag:s28], $0x1000  }
0xaa: {  	[sflag:s28] =	ssyncset.done $0x0  }
0xab: {  	[sflag:s28] =	ssyncadd.s32 $0xFFFFF000  }
0xac: {  	[bflag:$0x0] =	sbarrier.arrive $0xFFFF  }
0xad: {  	[hbm:s26], [sflag:s30] =	dma.local [spmem:s31], $0x10000  }
0xae: {  	[tilespmem:s12], [sflag:$0x2] =	stream.linear.gather [hbm4b:s23+s2], $0x8000, $0x38;
	[tilespmem:$0x18000] =	vst v63  }
0xaf: {  	_ =	swait.ge [sflag:s9], $0x8000  }
0xb0: {  	[sflag:s9] =	ssyncset.done $0x0  }
0xb1: {  	s1 =	rddreg [dreg:$0x6];
	[sflag:s9] =	ssyncadd.s32 $0xFFFF8000  }
0xb2: {  	[hbm4b:s1+s2] =	stream.linear.scatter [tilespmem:s12], [sflag:$0x3], $0x8000, $0x38;
	[tilespmem:$0x18000] =	vst v63  }
0xb3: {  	s24 =	rddreg [dreg:$0x7]  }
0xb4: {  	[tilespmem:s10], [sflag:$0x2] =	stream.linear.gather [hbm4b:s24+s2], $0x8000, $0x38;
	[tilespmem:$0x18000] =	vst v63  }
0xb5: {  	_ =	swait.ge [sflag:s9], $0x8000  }
0xb6: {  	[sflag:s9] =	ssyncset.done $0x0  }
0xb7: {  	s24 =	rddreg [dreg:$0x8];
	[sflag:s9] =	ssyncadd.s32 $0xFFFF8000  }
0xb8: {  	[hbm4b:s24+s2] =	stream.linear.scatter [tilespmem:s10], [sflag:$0x3], $0x8000, $0x38;
	[tilespmem:$0x18000] =	vst v63  }
0xb9: {  	_ =	swait.ge [sflag:s7], $0x8000  }
0xba: {  	[sflag:s7] =	ssyncset.done $0x0  }
0xbb: {  	s24 =	rddreg [dreg:$0x9];
	[sflag:s7] =	ssyncadd.s32 $0xFFFF8000  }
0xbc: {  	[tilespmem:s12], [sflag:$0x2] =	stream.linear.gather [hbm4b:s24+s2], $0x8000, $0x38;
	[tilespmem:$0x18000] =	vst v63  }
0xbd: {  	_ =	swait.ge [sflag:s9], $0x8000  }
0xbe: {  	[sflag:s9] =	ssyncset.done $0x0  }
0xbf: {  	s24 =	rddreg [dreg:$0xa];
	[sflag:s9] =	ssyncadd.s32 $0xFFFF8000  }
0xc0: {  	[hbm4b:s24+s2] =	stream.linear.scatter [tilespmem:s12], [sflag:$0x3], $0x8000, $0x38;
	[tilespmem:$0x18000] =	vst v63  }
0xc1: {  	_ =	swait.ge [sflag:s7], $0x8000  }
0xc2: {  	[sflag:s7] =	ssyncset.done $0x0  }
0xc3: {  	s24 =	rddreg [dreg:$0xb];
	[sflag:s7] =	ssyncadd.s32 $0xFFFF8000  }
0xc4: {  	[tilespmem:s10], [sflag:$0x2] =	stream.linear.gather [hbm4b:s24+s2], $0x8000, $0x38;
	[tilespmem:$0x18000] =	vst v63  }
0xc5: {  	_ =	swait.ge [sflag:s9], $0x8000  }
0xc6: {  	[sflag:s9] =	ssyncset.done $0x0  }
0xc7: {  	s24 =	rddreg [dreg:$0xc];
	[sflag:s9] =	ssyncadd.s32 $0xFFFF8000  }
0xc8: {  	[hbm4b:s24+s2] =	stream.linear.scatter [tilespmem:s10], [sflag:$0x3], $0x8000, $0x38;
	[tilespmem:$0x18000] =	vst v63  }
0xc9: {  	_ =	swait.ge [sflag:s7], $0x8000  }
0xca: {  	[sflag:s7] =	ssyncset.done $0x0  }
0xcb: {  	s24 =	rddreg [dreg:$0xd];
	[sflag:s7] =	ssyncadd.s32 $0xFFFF8000  }
0xcc: {  	[tilespmem:s12], [sflag:$0x2] =	stream.linear.gather [hbm4b:s24+s2], $0x8000, $0x38;
	[tilespmem:$0x18000] =	vst v63  }
0xcd: {  	_ =	swait.ge [sflag:s9], $0x8000  }
0xce: {  	[sflag:s9] =	ssyncset.done $0x0  }
0xcf: {  	s24 =	rddreg [dreg:$0xe];
	[sflag:s9] =	ssyncadd.s32 $0xFFFF8000  }
0xd0: {  	[hbm4b:s24+s2] =	stream.linear.scatter [tilespmem:s12], [sflag:$0x3], $0x8000, $0x38;
	[tilespmem:$0x18000] =	vst v63  }
0xd1: {  	_ =	swait.ge [sflag:s7], $0x8000  }
0xd2: {  	[sflag:s7] =	ssyncset.done $0x0  }
0xd3: {  	s24 =	rddreg [dreg:$0xf];
	[sflag:s7] =	ssyncadd.s32 $0xFFFF8000  }
0xd4: {  	[tilespmem:s10], [sflag:$0x2] =	stream.linear.gather [hbm4b:s24+s2], $0x8000, $0x38;
	[tilespmem:$0x18000] =	vst v63  }
0xd5: {  	_ =	swait.ge [sflag:s9], $0x8000  }
0xd6: {  	[sflag:s9] =	ssyncset.done $0x0  }
0xd7: {  	s24 =	rddreg [dreg:$0x10];
	[sflag:s9] =	ssyncadd.s32 $0xFFFF8000  }
0xd8: {  	[hbm4b:s24+s2] =	stream.linear.scatter [tilespmem:s10], [sflag:$0x3], $0x8000, $0x38;
	[tilespmem:$0x18000] =	vst v63  }
0xd9: {  	_ =	swait.ge [sflag:s7], $0x8000  }
0xda: {  	[sflag:s7] =	ssyncset.done $0x0  }
0xdb: {  	s24 =	rddreg [dreg:$0x11];
	[sflag:s7] =	ssyncadd.s32 $0xFFFF8000  }
0xdc: {  	[tilespmem:s12], [sflag:$0x2] =	stream.linear.gather [hbm4b:s24+s2], $0x8000, $0x38;
	[tilespmem:$0x18000] =	vst v63  }
0xdd: {  	_ =	swait.ge [sflag:s9], $0x8000  }
0xde: {  	[sflag:s9] =	ssyncset.done $0x0  }
0xdf: {  	s24 =	rddreg [dreg:$0x12];
	[sflag:s9] =	ssyncadd.s32 $0xFFFF8000  }
0xe0: {  	[hbm4b:s24+s2] =	stream.linear.scatter [tilespmem:s12], [sflag:$0x3], $0x8000, $0x38;
	[tilespmem:$0x18000] =	vst v63  }
0xe1: {  	_ =	swait.ge [sflag:s7], $0x8000  }
0xe2: {  	[sflag:s7] =	ssyncset.done $0x0  }
0xe3: {  	s24 =	rddreg [dreg:$0x13];
	[sflag:s7] =	ssyncadd.s32 $0xFFFF8000  }
0xe4: {  	[tilespmem:s10], [sflag:$0x2] =	stream.linear.gather [hbm4b:s24+s2], $0x8000, $0x38;
	[tilespmem:$0x18000] =	vst v63  }
0xe5: {  	_ =	swait.ge [sflag:s9], $0x8000  }
0xe6: {  	[sflag:s9] =	ssyncset.done $0x0  }
0xe7: {  	s24 =	rddreg [dreg:$0x14];
	[sflag:s9] =	ssyncadd.s32 $0xFFFF8000  }
0xe8: {  	[hbm4b:s24+s2] =	stream.linear.scatter [tilespmem:s10], [sflag:$0x3], $0x8000, $0x38;
	[tilespmem:$0x18000] =	vst v63  }
0xe9: {  	_ =	swait.ge [sflag:s7], $0x8000  }
0xea: {  	[sflag:s7] =	ssyncset.done $0x0  }
0xeb: {  	s24 =	rddreg [dreg:$0x15];
	[sflag:s7] =	ssyncadd.s32 $0xFFFF8000  }
0xec: {  	[tilespmem:s12], [sflag:$0x2] =	stream.linear.gather [hbm4b:s24+s2], $0x8000, $0x38;
	[tilespmem:$0x18000] =	vst v63  }
0xed: {  	_ =	swait.ge [sflag:s9], $0x8000  }
0xee: {  	[sflag:s9] =	ssyncset.done $0x0  }
0xef: {  	[sflag:s9] =	ssyncadd.s32 $0xFFFF8000  }
0xf0: {  	[hbm4b:s22+s2] =	stream.linear.scatter [tilespmem:s12], [sflag:$0x3], $0x8000, $0x38;
	[tilespmem:$0x18000] =	vst v63  }
0xf1: {  	_ =	swait.ge [sflag:s7], $0x8000  }
0xf2: {  	[sflag:s7] =	ssyncset.done $0x0  }
0xf3: {  	[sflag:s7] =	ssyncadd.s32 $0xFFFF8000  }
0xf4: {  	[tilespmem:s10], [sflag:$0x2] =	stream.linear.gather [hbm4b:s21+s2], $0x8000, $0x38;
	[tilespmem:$0x18000] =	vst v63  }
0xf5: {  	_ =	swait.ge [sflag:s9], $0x8000  }
0xf6: {  	[sflag:s9] =	ssyncset.done $0x0  }
0xf7: {  	[sflag:s9] =	ssyncadd.s32 $0xFFFF8000  }
0xf8: {  	[hbm4b:s20+s2] =	stream.linear.scatter [tilespmem:s10], [sflag:$0x3], $0x8000, $0x38;
	[tilespmem:$0x18000] =	vst v63  }
0xf9: {  	_ =	swait.ge [sflag:s7], $0x8000  }
0xfa: {  	[sflag:s7] =	ssyncset.done $0x0  }
0xfb: {  	[sflag:s7] =	ssyncadd.s32 $0xFFFF8000  }
0xfc: {  	[tilespmem:s12], [sflag:$0x2] =	stream.linear.gather [hbm4b:s19+s2], $0x8000, $0x38;
	[tilespmem:$0x18000] =	vst v63  }
0xfd: {  	_ =	swait.ge [sflag:s9], $0x8000  }
0xfe: {  	[sflag:s9] =	ssyncset.done $0x0  }
0xff: {  	[sflag:s9] =	ssyncadd.s32 $0xFFFF8000  }
0x100: {  	[hbm4b:s18+s2] =	stream.linear.scatter [tilespmem:s12], [sflag:$0x3], $0x8000, $0x38;
	[tilespmem:$0x18000] =	vst v63  }
0x101: {  	_ =	swait.ge [sflag:s7], $0x8000  }
0x102: {  	[sflag:s7] =	ssyncset.done $0x0  }
0x103: {  	[sflag:s7] =	ssyncadd.s32 $0xFFFF8000  }
0x104: {  	[tilespmem:s10], [sflag:$0x2] =	stream.linear.gather [hbm4b:s17+s2], $0x8000, $0x38;
	[tilespmem:$0x18000] =	vst v63  }
0x105: {  	_ =	swait.ge [sflag:s9], $0x8000  }
0x106: {  	[sflag:s9] =	ssyncset.done $0x0  }
0x107: {  	[sflag:s9] =	ssyncadd.s32 $0xFFFF8000  }
0x108: {  	[hbm4b:s16+s2] =	stream.linear.scatter [tilespmem:s10], [sflag:$0x3], $0x8000, $0x38;
	[tilespmem:$0x18000] =	vst v63  }
0x109: {  	_ =	swait.ge [sflag:s7], $0x8000  }
0x10a: {  	[sflag:s7] =	ssyncset.done $0x0  }
0x10b: {  	[sflag:s7] =	ssyncadd.s32 $0xFFFF8000  }
0x10c: {  	[tilespmem:s12], [sflag:$0x2] =	stream.linear.gather [hbm4b:s15+s2], $0x8000, $0x38;
	[tilespmem:$0x18000] =	vst v63  }
0x10d: {  	_ =	swait.ge [sflag:s9], $0x8000  }
0x10e: {  	[sflag:s9] =	ssyncset.done $0x0  }
0x10f: {  	[sflag:s9] =	ssyncadd.s32 $0xFFFF8000  }
0x110: {  	[hbm4b:s14+s2] =	stream.linear.scatter [tilespmem:s12], [sflag:$0x3], $0x8000, $0x38;
	[tilespmem:$0x18000] =	vst v63  }
0x111: {  	_ =	swait.ge [sflag:s7], $0x8000  }
0x112: {  	[sflag:s7] =	ssyncset.done $0x0  }
0x113: {  	[sflag:s7] =	ssyncadd.s32 $0xFFFF8000  }
0x114: {  	[tilespmem:s10], [sflag:$0x2] =	stream.linear.gather [hbm4b:s13+s2], $0x8000, $0x38;
	[tilespmem:$0x18000] =	vst v63  }
0x115: {  	_ =	swait.ge [sflag:s9], $0x8000  }
0x116: {  	[sflag:s9] =	ssyncset.done $0x0  }
0x117: {  	[sflag:s9] =	ssyncadd.s32 $0xFFFF8000  }
0x118: {  	[hbm4b:s11+s2] =	stream.linear.scatter [tilespmem:s10], [sflag:$0x3], $0x8000, $0x38;
	[tilespmem:$0x18000] =	vst v63  }
0x119: {  	_ =	swait.ge [sflag:s7], $0x8000  }
0x11a: {  	[sflag:s7] =	ssyncset.done $0x0  }
0x11b: {  	[sflag:s7] =	ssyncadd.s32 $0xFFFF8000  }
0x11c: {  	[tilespmem:s12], [sflag:$0x2] =	stream.linear.gather [hbm4b:s8+s2], $0x8000, $0x38;
	[tilespmem:$0x18000] =	vst v63  }
0x11d: {  	_ =	swait.ge [sflag:s9], $0x8000  }
0x11e: {  	[sflag:s9] =	ssyncset.done $0x0  }
0x11f: {  	[sflag:s9] =	ssyncadd.s32 $0xFFFF8000  }
0x120: {  	[hbm4b:s6+s2] =	stream.linear.scatter [tilespmem:s12], [sflag:$0x3], $0x8000, $0x38;
	[tilespmem:$0x18000] =	vst v63  }
0x121: {  	_ =	swait.ge [sflag:s7], $0x8000  }
0x122: {  	[sflag:s7] =	ssyncset.done $0x0  }
0x123: {  	[sflag:s7] =	ssyncadd.s32 $0xFFFF8000  }
0x124: {  	[tilespmem:s10], [sflag:$0x2] =	stream.linear.gather [hbm4b:s4+s2], $0x8000, $0x38;
	[tilespmem:$0x18000] =	vst v63  }
0x125: {  	_ =	swait.ge [sflag:s9], $0x8000  }
0x126: {  	[sflag:s9] =	ssyncset.done $0x0  }
0x127: {  	p1 =	sne.s32 s0, $0x1;
	[sflag:s9] =	ssyncadd.s32 $0xFFFF8000  }
0x128: {  	[hbm4b:s3+s2] =	stream.linear.scatter [tilespmem:s10], [sflag:$0x3], $0x8000, $0x38;
	[tilespmem:$0x18000] =	vst v63  }
.Ltmp2:
0x129: {  	_ =	swait.ge [sflag:s7], $0x8000;
	(pc) =	sbr.rel @p1 .LBB2_3-.Ltmp2, $4  }
0x12a: {  	[sflag:s7] =	ssyncset.done $0x0  }
0x12b: {  	[sflag:s7] =	ssyncadd.s32 $0xFFFF8000  }
0x12c: {  	_ =	swait.ge [sflag:s5], $0x10000  }
0x12d: {  	s0 =	sadd.s32 $0xFFFFFFFF, s0;
	s24 =	rddreg [dreg:$0x4];
	[sflag:s5] =	ssyncset.done $0x0  }
0x12e: {  	s30 =	rddreg [dreg:$0x3]  }
0x12f: {  	s31 =	stileid.u32;
	s1 =	rddreg [dreg:$0x2]  }
.LBB2_5:
0x130: {  	s0 =	rddreg [dreg:$0x5];
	[sflag:s5] =	ssyncadd.s32 @p0 $0xFFFF0000  }
0x131: {  	[spmem:s29], [sflag:s0] =	dma.local [hbm:s24], $0x1000  }
0x132: {  	_ =	swait.ge [sflag:s28], $0x1000  }
0x133: {  	[sflag:s28] =	ssyncset.done $0x0  }
0x134: {  	[sflag:s28] =	ssyncadd.s32 $0xFFFFF000  }
0x135: {  	s25 =	sor.u32 $0x1C01, s25;
	s1 =	sshrl.u32 s1, $0x3;
	[bflag:$0x0] =	sbarrier.arrive $0xFFFF  }
0x136: {  	[hbm:s26], [sflag:s25] =	dma.local [spmem:s1], $0x10000  }
0x137: {  	[tilespmem:s12], [sflag:$0x2] =	stream.linear.gather [hbm4b:s23+s2], $0x8000, $0x38;
	[tilespmem:$0x18000] =	vst v63  }
0x138: {  	_ =	swait.ge [sflag:s9], $0x8000  }
0x139: {  	[sflag:s9] =	ssyncset.done $0x0  }
0x13a: {  	s28 =	rddreg [dreg:$0x6];
	[sflag:s9] =	ssyncadd.s32 $0xFFFF8000  }
0x13b: {  	[hbm4b:s28+s2] =	stream.linear.scatter [tilespmem:s12], [sflag:$0x3], $0x8000, $0x38;
	[tilespmem:$0x18000] =	vst v63  }
0x13c: {  	s29 =	rddreg [dreg:$0x7]  }
0x13d: {  	[tilespmem:s10], [sflag:$0x2] =	stream.linear.gather [hbm4b:s29+s2], $0x8000, $0x38;
	[tilespmem:$0x18000] =	vst v63  }
0x13e: {  	_ =	swait.ge [sflag:s9], $0x8000  }
0x13f: {  	[sflag:s9] =	ssyncset.done $0x0  }
0x140: {  	s1 =	rddreg [dreg:$0x8];
	[sflag:s9] =	ssyncadd.s32 $0xFFFF8000  }
0x141: {  	[hbm4b:s1+s2] =	stream.linear.scatter [tilespmem:s10], [sflag:$0x3], $0x8000, $0x38;
	[tilespmem:$0x18000] =	vst v63  }
0x142: {  	_ =	swait.ge [sflag:s7], $0x8000  }
0x143: {  	[sflag:s7] =	ssyncset.done $0x0  }
0x144: {  	s23 =	rddreg [dreg:$0x9];
	[sflag:s7] =	ssyncadd.s32 $0xFFFF8000  }
0x145: {  	[tilespmem:s12], [sflag:$0x2] =	stream.linear.gather [hbm4b:s23+s2], $0x8000, $0x38;
	[tilespmem:$0x18000] =	vst v63  }
0x146: {  	_ =	swait.ge [sflag:s9], $0x8000  }
0x147: {  	[sflag:s9] =	ssyncset.done $0x0  }
0x148: {  	s24 =	rddreg [dreg:$0xa];
	[sflag:s9] =	ssyncadd.s32 $0xFFFF8000  }
0x149: {  	[hbm4b:s24+s2] =	stream.linear.scatter [tilespmem:s12], [sflag:$0x3], $0x8000, $0x38;
	[tilespmem:$0x18000] =	vst v63  }
0x14a: {  	_ =	swait.ge [sflag:s7], $0x8000  }
0x14b: {  	[sflag:s7] =	ssyncset.done $0x0  }
0x14c: {  	s25 =	rddreg [dreg:$0xb];
	[sflag:s7] =	ssyncadd.s32 $0xFFFF8000  }
0x14d: {  	[tilespmem:s10], [sflag:$0x2] =	stream.linear.gather [hbm4b:s25+s2], $0x8000, $0x38;
	[tilespmem:$0x18000] =	vst v63  }
0x14e: {  	_ =	swait.ge [sflag:s9], $0x8000  }
0x14f: {  	[sflag:s9] =	ssyncset.done $0x0  }
0x150: {  	s26 =	rddreg [dreg:$0xc];
	[sflag:s9] =	ssyncadd.s32 $0xFFFF8000  }
0x151: {  	[hbm4b:s26+s2] =	stream.linear.scatter [tilespmem:s10], [sflag:$0x3], $0x8000, $0x38;
	[tilespmem:$0x18000] =	vst v63  }
0x152: {  	_ =	swait.ge [sflag:s7], $0x8000  }
0x153: {  	[sflag:s7] =	ssyncset.done $0x0  }
0x154: {  	s28 =	rddreg [dreg:$0xd];
	[sflag:s7] =	ssyncadd.s32 $0xFFFF8000  }
0x155: {  	[tilespmem:s12], [sflag:$0x2] =	stream.linear.gather [hbm4b:s28+s2], $0x8000, $0x38;
	[tilespmem:$0x18000] =	vst v63  }
0x156: {  	_ =	swait.ge [sflag:s9], $0x8000  }
0x157: {  	[sflag:s9] =	ssyncset.done $0x0  }
0x158: {  	s29 =	rddreg [dreg:$0xe];
	[sflag:s9] =	ssyncadd.s32 $0xFFFF8000  }
0x159: {  	[hbm4b:s29+s2] =	stream.linear.scatter [tilespmem:s12], [sflag:$0x3], $0x8000, $0x38;
	[tilespmem:$0x18000] =	vst v63  }
0x15a: {  	_ =	swait.ge [sflag:s7], $0x8000  }
0x15b: {  	[sflag:s7] =	ssyncset.done $0x0  }
0x15c: {  	s1 =	rddreg [dreg:$0xf];
	[sflag:s7] =	ssyncadd.s32 $0xFFFF8000  }
0x15d: {  	[tilespmem:s10], [sflag:$0x2] =	stream.linear.gather [hbm4b:s1+s2], $0x8000, $0x38;
	[tilespmem:$0x18000] =	vst v63  }
0x15e: {  	_ =	swait.ge [sflag:s9], $0x8000  }
0x15f: {  	[sflag:s9] =	ssyncset.done $0x0  }
0x160: {  	s23 =	rddreg [dreg:$0x10];
	[sflag:s9] =	ssyncadd.s32 $0xFFFF8000  }
0x161: {  	[hbm4b:s23+s2] =	stream.linear.scatter [tilespmem:s10], [sflag:$0x3], $0x8000, $0x38;
	[tilespmem:$0x18000] =	vst v63  }
0x162: {  	_ =	swait.ge [sflag:s7], $0x8000  }
0x163: {  	[sflag:s7] =	ssyncset.done $0x0  }
0x164: {  	s24 =	rddreg [dreg:$0x11];
	[sflag:s7] =	ssyncadd.s32 $0xFFFF8000  }
0x165: {  	[tilespmem:s12], [sflag:$0x2] =	stream.linear.gather [hbm4b:s24+s2], $0x8000, $0x38;
	[tilespmem:$0x18000] =	vst v63  }
0x166: {  	_ =	swait.ge [sflag:s9], $0x8000  }
0x167: {  	[sflag:s9] =	ssyncset.done $0x0  }
0x168: {  	s25 =	rddreg [dreg:$0x12];
	[sflag:s9] =	ssyncadd.s32 $0xFFFF8000  }
0x169: {  	[hbm4b:s25+s2] =	stream.linear.scatter [tilespmem:s12], [sflag:$0x3], $0x8000, $0x38;
	[tilespmem:$0x18000] =	vst v63  }
0x16a: {  	_ =	swait.ge [sflag:s7], $0x8000  }
0x16b: {  	[sflag:s7] =	ssyncset.done $0x0  }
0x16c: {  	s26 =	rddreg [dreg:$0x13];
	[sflag:s7] =	ssyncadd.s32 $0xFFFF8000  }
0x16d: {  	[tilespmem:s10], [sflag:$0x2] =	stream.linear.gather [hbm4b:s26+s2], $0x8000, $0x38;
	[tilespmem:$0x18000] =	vst v63  }
0x16e: {  	_ =	swait.ge [sflag:s9], $0x8000  }
0x16f: {  	[sflag:s9] =	ssyncset.done $0x0  }
0x170: {  	s28 =	rddreg [dreg:$0x14];
	[sflag:s9] =	ssyncadd.s32 $0xFFFF8000  }
0x171: {  	[hbm4b:s28+s2] =	stream.linear.scatter [tilespmem:s10], [sflag:$0x3], $0x8000, $0x38;
	[tilespmem:$0x18000] =	vst v63  }
0x172: {  	_ =	swait.ge [sflag:s7], $0x8000  }
0x173: {  	[sflag:s7] =	ssyncset.done $0x0  }
0x174: {  	s29 =	rddreg [dreg:$0x15];
	[sflag:s7] =	ssyncadd.s32 $0xFFFF8000  }
0x175: {  	[tilespmem:s12], [sflag:$0x2] =	stream.linear.gather [hbm4b:s29+s2], $0x8000, $0x38;
	[tilespmem:$0x18000] =	vst v63  }
0x176: {  	_ =	swait.ge [sflag:s9], $0x8000  }
0x177: {  	[sflag:s9] =	ssyncset.done $0x0  }
0x178: {  	[sflag:s9] =	ssyncadd.s32 $0xFFFF8000  }
0x179: {  	[hbm4b:s22+s2] =	stream.linear.scatter [tilespmem:s12], [sflag:$0x3], $0x8000, $0x38;
	[tilespmem:$0x18000] =	vst v63  }
0x17a: {  	_ =	swait.ge [sflag:s7], $0x8000  }
0x17b: {  	[sflag:s7] =	ssyncset.done $0x0  }
0x17c: {  	[sflag:s7] =	ssyncadd.s32 $0xFFFF8000  }
0x17d: {  	[tilespmem:s10], [sflag:$0x2] =	stream.linear.gather [hbm4b:s21+s2], $0x8000, $0x38;
	[tilespmem:$0x18000] =	vst v63  }
0x17e: {  	_ =	swait.ge [sflag:s9], $0x8000  }
0x17f: {  	[sflag:s9] =	ssyncset.done $0x0  }
0x180: {  	[sflag:s9] =	ssyncadd.s32 $0xFFFF8000  }
0x181: {  	[hbm4b:s20+s2] =	stream.linear.scatter [tilespmem:s10], [sflag:$0x3], $0x8000, $0x38;
	[tilespmem:$0x18000] =	vst v63  }
0x182: {  	_ =	swait.ge [sflag:s7], $0x8000  }
0x183: {  	[sflag:s7] =	ssyncset.done $0x0  }
0x184: {  	[sflag:s7] =	ssyncadd.s32 $0xFFFF8000  }
0x185: {  	[tilespmem:s12], [sflag:$0x2] =	stream.linear.gather [hbm4b:s19+s2], $0x8000, $0x38;
	[tilespmem:$0x18000] =	vst v63  }
0x186: {  	_ =	swait.ge [sflag:s9], $0x8000  }
0x187: {  	[sflag:s9] =	ssyncset.done $0x0  }
0x188: {  	[sflag:s9] =	ssyncadd.s32 $0xFFFF8000  }
0x189: {  	[hbm4b:s18+s2] =	stream.linear.scatter [tilespmem:s12], [sflag:$0x3], $0x8000, $0x38;
	[tilespmem:$0x18000] =	vst v63  }
0x18a: {  	_ =	swait.ge [sflag:s7], $0x8000  }
0x18b: {  	[sflag:s7] =	ssyncset.done $0x0  }
0x18c: {  	[sflag:s7] =	ssyncadd.s32 $0xFFFF8000  }
0x18d: {  	[tilespmem:s10], [sflag:$0x2] =	stream.linear.gather [hbm4b:s17+s2], $0x8000, $0x38;
	[tilespmem:$0x18000] =	vst v63  }
0x18e: {  	_ =	swait.ge [sflag:s9], $0x8000  }
0x18f: {  	[sflag:s9] =	ssyncset.done $0x0  }
0x190: {  	[sflag:s9] =	ssyncadd.s32 $0xFFFF8000  }
0x191: {  	[hbm4b:s16+s2] =	stream.linear.scatter [tilespmem:s10], [sflag:$0x3], $0x8000, $0x38;
	[tilespmem:$0x18000] =	vst v63  }
0x192: {  	_ =	swait.ge [sflag:s7], $0x8000  }
0x193: {  	[sflag:s7] =	ssyncset.done $0x0  }
0x194: {  	[sflag:s7] =	ssyncadd.s32 $0xFFFF8000  }
0x195: {  	[tilespmem:s12], [sflag:$0x2] =	stream.linear.gather [hbm4b:s15+s2], $0x8000, $0x38;
	[tilespmem:$0x18000] =	vst v63  }
0x196: {  	_ =	swait.ge [sflag:s9], $0x8000  }
0x197: {  	[sflag:s9] =	ssyncset.done $0x0  }
0x198: {  	[sflag:s9] =	ssyncadd.s32 $0xFFFF8000  }
0x199: {  	[hbm4b:s14+s2] =	stream.linear.scatter [tilespmem:s12], [sflag:$0x3], $0x8000, $0x38;
	[tilespmem:$0x18000] =	vst v63  }
0x19a: {  	_ =	swait.ge [sflag:s7], $0x8000  }
0x19b: {  	[sflag:s7] =	ssyncset.done $0x0  }
0x19c: {  	[sflag:s7] =	ssyncadd.s32 $0xFFFF8000  }
0x19d: {  	[tilespmem:s10], [sflag:$0x2] =	stream.linear.gather [hbm4b:s13+s2], $0x8000, $0x38;
	[tilespmem:$0x18000] =	vst v63  }
0x19e: {  	_ =	swait.ge [sflag:s9], $0x8000  }
0x19f: {  	[sflag:s9] =	ssyncset.done $0x0  }
0x1a0: {  	[sflag:s9] =	ssyncadd.s32 $0xFFFF8000  }
0x1a1: {  	[hbm4b:s11+s2] =	stream.linear.scatter [tilespmem:s10], [sflag:$0x3], $0x8000, $0x38;
	[tilespmem:$0x18000] =	vst v63  }
0x1a2: {  	_ =	swait.ge [sflag:s7], $0x8000  }
0x1a3: {  	[sflag:s7] =	ssyncset.done $0x0  }
0x1a4: {  	[sflag:s7] =	ssyncadd.s32 $0xFFFF8000  }
0x1a5: {  	[tilespmem:s12], [sflag:$0x2] =	stream.linear.gather [hbm4b:s8+s2], $0x8000, $0x38;
	[tilespmem:$0x18000] =	vst v63  }
0x1a6: {  	_ =	swait.ge [sflag:s9], $0x8000  }
0x1a7: {  	[sflag:s9] =	ssyncset.done $0x0  }
0x1a8: {  	[sflag:s9] =	ssyncadd.s32 $0xFFFF8000  }
0x1a9: {  	[hbm4b:s6+s2] =	stream.linear.scatter [tilespmem:s12], [sflag:$0x3], $0x8000, $0x38;
	[tilespmem:$0x18000] =	vst v63  }
0x1aa: {  	_ =	swait.ge [sflag:s7], $0x8000  }
0x1ab: {  	[sflag:s7] =	ssyncset.done $0x0  }
0x1ac: {  	[sflag:s7] =	ssyncadd.s32 $0xFFFF8000  }
0x1ad: {  	[tilespmem:s10], [sflag:$0x2] =	stream.linear.gather [hbm4b:s4+s2], $0x8000, $0x38;
	[tilespmem:$0x18000] =	vst v63  }
0x1ae: {  	_ =	swait.ge [sflag:s9], $0x8000  }
0x1af: {  	[sflag:s9] =	ssyncset.done $0x0  }
0x1b0: {  	[sflag:s9] =	ssyncadd.s32 $0xFFFF8000  }
0x1b1: {  	[hbm4b:s3+s2] =	stream.linear.scatter [tilespmem:s10], [sflag:$0x3], $0x8000, $0x38;
	[tilespmem:$0x18000] =	vst v63  }
0x1b2: {  	_ =	swait.ge [sflag:s7], $0x8000  }
0x1b3: {  	[sflag:s7] =	ssyncset.done $0x0  }
0x1b4: {  	[sflag:s7] =	ssyncadd.s32 $0xFFFF8000  }
0x1b5: {  	_ =	swait.ge [sflag:s5], $0x10000  }
0x1b6: {  	[sflag:s5] =	ssyncset.done $0x0  }
0x1b7: {  	[sflag:s5] =	ssyncadd.s32 $0xFFFF0000  }
0x1b8: {  	_ =	sfence.sel $0x180000  }
0x1b9: {  	[bflag:$0x0] =	sbarrier.arrive $0xFFFF  }
0x1ba: {  	p0 =	sne.s32 s31, $0x0;
	_ =	strace $0x90000047  }
0x1bb: {  	s0 =	sadd.s32 @!p0 $0x100000, s30;
	[bflag:$0x2] =	sbarrier.arrive $0xFFFF  }
0x1bc: {  	[sflag:s0] =	ssyncadd.tile.s32 @!p0 $0x1;
	_ =	shalt  }
.LBB2_2:
.Ltmp3:
0x1bd: {  	(pc) =	sbr.rel .LBB2_5-.Ltmp3, $3  }
0x1be: {  	_ =	sdelay $0x1  }
0x1bf: {  	s30 =	rddreg [dreg:$0x3]  }
0x1c0: {  	s31 =	stileid.u32;
	s1 =	rddreg [dreg:$0x2]  }
.Lfunc_end2:
_tile_overlayer_lowered:
.L_overlay_start_2:
0x1c1: {  	(tag) =	ssettag $0x2  }
0x1c2: {  	s0 =	rddreg [dreg:$0x0];
	s2 =	stileid.u32  }
0x1c3: {  	s1 =	rddreg [dreg:$0x1];
	p0 =	sne.s32 s2, $0x0  }
0x1c4: {  	s3 =	rddreg [dreg:$0x2];
	[bflag:$0x3] =	sbarrier.arrive $0xFFFF;
	s2 =	simm.s32 @!p0 $0x1C04  }
0x1c5: {  	[timem:s3], [sflag:s2] =	dma.local @!p0 [hbm:s0], s1  }
0x1c6: {  	s0 =	simm.s32 @!p0 $0x4  }
0x1c7: {  	_ =	swait.ge @!p0 [sflag:s0], s1  }
0x1c8: {  	s1 =	ssub.s32 @!p0 $0x0, s1;
	[sflag:s0] =	ssyncset.done @!p0 $0x0  }
0x1c9: {  	[sflag:s0] =	ssyncadd.s32 @!p0 s1  }
0x1ca: {  	[bflag:$0x3] =	sbarrier.arrive $0xFFFF  }
0x1cb: {  	_ =	shalt  }

</sc_bundles>
